<compile_context>
chip_gen: v7x
topology: tpu7x:2x2x1
jax: 0.10.2.dev20260603
libtpu: 0.0.44.dev20260713+nightly
codegen_flags: <defaults>
</compile_context>

<pallas_src>
import functools

import jax
import jax.numpy as jnp
from jax import lax
from jax.experimental import pallas as pl
from jax.experimental.pallas import tpu as pltpu
from jax.experimental.pallas import tpu_sc as plsc

D = 512
FAST = 16
SLOW = 64
B = 32
T = 128
STEPS = T - 3
_SLOTS = FAST + SLOW


def _score_body(h_ref, wgd_ref, bgd_ref, sc_ref):
    bgd = bgd_ref[...]
    wgd_bf = wgd_ref[...].astype(jnp.bfloat16)
    v = h_ref[...].reshape(B * T, D).astype(jnp.bfloat16)
    s = jnp.dot(v, wgd_bf, preferred_element_type=jnp.float32) + bgd
    ws = jax.nn.sigmoid(s[:, 0:1])
    sc_ref[...] = jnp.concatenate([ws, s[:, 1:2]], 1)


def _sc_body(h2_hbm, sc_hbm, fout_hbm, sout_hbm, fused_hbm, sused_hbm,
             sco_v, idx_v, um_v, rows_v, sem, sem2):
    wid = lax.axis_index("s") * 2 + lax.axis_index("c")
    pltpu.sync_copy(sc_hbm.at[pl.ds(wid * 2 * T, 2 * T)],
                    sco_v.at[pl.ds(0, 2 * T)])

    iota16 = lax.broadcasted_iota(jnp.int32, (16,), 0)
    zeros16 = jnp.zeros((16,), jnp.int32)

    for j in range(_SLOTS // 16):
        idx_v[pl.ds(j * 16, 16)] = zeros16

    gdn = lax.GatherDimensionNumbers(offset_dims=(), collapsed_slice_dims=(0,),
                                     start_index_map=(0,))

    def _perm(x, idx):
        return lax.gather(x, idx[:, None], gdn, (1,),
                          mode=lax.GatherScatterMode.PROMISE_IN_BOUNDS)

    def _bfly_min(x):
        for off in (8, 4, 2, 1):
            x = jnp.minimum(x, _perm(x, jnp.bitwise_xor(iota16, off)))
        return x

    iota16f = iota16.astype(jnp.float32)
    zerosf = jnp.zeros((16,), jnp.float32)

    def step(t, carry):
        fs, ft, nfast, ndem = carry
        wv = sco_v[pl.ds(2 * t, 16)]
        gate01 = (wv[0] >= 0.4).astype(jnp.int32)
        full01 = (nfast >= FAST).astype(jnp.int32)
        mnv = _bfly_min(fs)
        jmf = _bfly_min(jnp.where(fs == mnv, iota16f, 16.0))
        jmv = jmf.astype(jnp.int32)
        victim = _perm(ft, jmv)
        f_iv = zeros16 + full01
        slot_i = f_iv * jmv + (1 - f_iv) * (zeros16 + nfast)
        slot_eff = slot_i * gate01 + FAST * (1 - gate01)
        dv = zerosf + wv[1]
        fs = jnp.where(iota16f == slot_eff.astype(jnp.float32), dv, fs)
        ft = jnp.where(iota16 == slot_eff, zeros16 + t, ft)
        demote01 = gate01 * full01
        ring = jnp.bitwise_and(ndem, SLOW - 1)
        ro = jnp.bitwise_and(ring, 15)
        rbase = FAST + ring - ro
        ro_eff = zeros16 + (ro * demote01 + 16 * (1 - demote01))
        old = idx_v[pl.ds(rbase, 16)]
        idx_v[pl.ds(rbase, 16)] = jnp.where(iota16 == ro_eff, victim, old)
        nfast = nfast + gate01 * (1 - full01)
        ndem = ndem + demote01
        return fs, ft, nfast, ndem

    init = (jnp.zeros((16,), jnp.float32), jnp.zeros((16,), jnp.int32),
            jnp.int32(0), jnp.int32(0))
    _, ft, nfast, ndem = lax.fori_loop(0, STEPS, step, init)

    nsl = jnp.minimum(ndem, SLOW)
    nfast_f = nfast.astype(jnp.float32)
    nsl_f = nsl.astype(jnp.float32)
    base = wid * T
    idx_v[pl.ds(0, 16)] = jnp.where(iota16 < (zeros16 + nfast), ft, 0) + base
    um_v[pl.ds(0, 16)] = jnp.where(iota16f < (zerosf + nfast_f), 1.0, 0.0)
    for j in range(SLOW // 16):
        sl = idx_v[pl.ds(FAST + j * 16, 16)]
        smask_i = (iota16 + j * 16) < (zeros16 + nsl)
        idx_v[pl.ds(FAST + j * 16, 16)] = jnp.where(smask_i, sl, 0) + base
        um_v[pl.ds(FAST + j * 16, 16)] = jnp.where(
            (iota16f + float(j * 16)) < (zerosf + nsl_f), 1.0, 0.0)

    cf = pltpu.async_copy(h2_hbm.at[idx_v.at[pl.ds(0, FAST)]],
                          rows_v.at[pl.ds(0, FAST)], sem)
    cs = pltpu.async_copy(h2_hbm.at[idx_v.at[pl.ds(FAST, SLOW)]],
                          rows_v.at[pl.ds(FAST, SLOW)], sem2)
    pltpu.sync_copy(um_v.at[pl.ds(0, FAST)],
                    fused_hbm.at[pl.ds(wid * FAST, FAST)])
    pltpu.sync_copy(um_v.at[pl.ds(FAST, SLOW)],
                    sused_hbm.at[pl.ds(wid * SLOW, SLOW)])

    zrow = jnp.zeros((16,), jnp.float32)

    def row_fn(r, _):
        @pl.when(um_v[pl.ds(r, 16)][0] == 0.0)
        def _():
            for c in range(D // 16):
                rows_v[r, pl.ds(c * 16, 16)] = zrow
        return 0

    cf.wait()
    lax.fori_loop(0, FAST, row_fn, 0)
    pltpu.sync_copy(rows_v.at[pl.ds(0, FAST)], fout_hbm.at[wid])
    cs.wait()
    lax.fori_loop(FAST, _SLOTS, row_fn, 0)
    pltpu.sync_copy(rows_v.at[pl.ds(FAST, SLOW)], sout_hbm.at[wid])


@functools.partial(
    pl.kernel,
    mesh=plsc.VectorSubcoreMesh(core_axis_name="c", subcore_axis_name="s"),
    out_type=[
        jax.ShapeDtypeStruct((B, FAST, D), jnp.float32),
        jax.ShapeDtypeStruct((B, SLOW, D), jnp.float32),
        jax.ShapeDtypeStruct((B * FAST,), jnp.float32),
        jax.ShapeDtypeStruct((B * SLOW,), jnp.float32),
    ],
    scratch_types=[
        pltpu.VMEM((2 * T + 16,), jnp.float32),
        pltpu.VMEM((_SLOTS,), jnp.int32),
        pltpu.VMEM((_SLOTS + 16,), jnp.float32),
        pltpu.VMEM((_SLOTS, D), jnp.float32),
        pltpu.SemaphoreType.DMA,
        pltpu.SemaphoreType.DMA,
    ],
)
def _sc_scan_gather(h2_hbm, sc_hbm, fout_hbm, sout_hbm, fused_hbm, sused_hbm,
                    sco_v, idx_v, um_v, rows_v, sem, sem2):
    _sc_body(h2_hbm, sc_hbm, fout_hbm, sout_hbm, fused_hbm, sused_hbm,
             sco_v, idx_v, um_v, rows_v, sem, sem2)


@jax.jit
def kernel(h, wg, bg, wd, bd):
    wgd = jnp.stack([wg, wd], axis=1)
    bgd = jnp.stack([jnp.asarray(bg, jnp.float32),
                     jnp.asarray(bd, jnp.float32)]).reshape(1, 2)

    scores = pl.pallas_call(
        _score_body,
        out_shape=jax.ShapeDtypeStruct((B * T, 2), jnp.float32),
    )(h, wgd, bgd)

    fast_mem, slow_mem, fused, sused = _sc_scan_gather(
        h.reshape(B * T, D), scores.reshape(B * T * 2))

    return (fast_mem, slow_mem,
            fused.reshape(B, FAST), sused.reshape(B, SLOW))

# --- scband reference (transcript-rebuilt; emitter-appended) ---
"""Pipeline reference for scband-shared-writer-35270271435251 (READ-ONLY COPY).

The authoritative reference and input builder live on the scoring server;
editing this copy changes nothing except your own understanding.
"""

import jax, jax.numpy as jnp
import numpy as np

HIDDEN_DIM = 512
FAST_SLOTS = 16
SLOW_SLOTS = 64
B = 32
T = 128


def setup_inputs(seed: int = 0) -> dict:
    key = jax.random.key(seed)
    k1, k2, k3, k4, k5 = jax.random.split(key, 5)
    h = jax.random.normal(k1, (B, T, HIDDEN_DIM), dtype=jnp.float32)
    wg = jax.random.normal(k2, (HIDDEN_DIM,), dtype=jnp.float32) * 0.05
    bg = jax.random.normal(k3, (), dtype=jnp.float32) * 0.05
    wd = jax.random.normal(k4, (HIDDEN_DIM,), dtype=jnp.float32) * 0.05
    bd = jax.random.normal(k5, (), dtype=jnp.float32) * 0.05
    return {"h": h, "wg": wg, "bg": bg, "wd": wd, "bd": bd}


def _forward(h, wg, bg, wd, bd):
    Bv, Tv, D = h.shape
    fast_mem = jnp.zeros((Bv, FAST_SLOTS, D), dtype=jnp.float32)
    slow_mem = jnp.zeros((Bv, SLOW_SLOTS, D), dtype=jnp.float32)
    fast_age = jnp.zeros((Bv, FAST_SLOTS), dtype=jnp.int32)
    slow_age = jnp.zeros((Bv, SLOW_SLOTS), dtype=jnp.int32)
    fast_used = jnp.zeros((Bv, FAST_SLOTS), dtype=bool)
    slow_used = jnp.zeros((Bv, SLOW_SLOTS), dtype=bool)
    barange = jnp.arange(Bv)
    for t in range(Tv - 3):
        tok_h = h[:, t, :]
        ws = jax.nn.sigmoid(tok_h @ wg + bg)  # [B]
        # LRU age increment for used slots (done before any writes this step)
        fast_age = fast_age + fast_used.astype(jnp.int32)
        slow_age = slow_age + slow_used.astype(jnp.int32)
        write = ws >= 0.4  # torch: skip if ws < 0.4
        free_fast = ~fast_used
        has_free_fast = jnp.any(free_fast, axis=1)
        first_free_fast = jnp.argmax(free_fast, axis=1)  # first free slot
        # learned demotion score over current fast memory
        ds = fast_mem @ wd + bd  # [B, FAST_SLOTS]
        dem_idx = jnp.argmin(ds, axis=1)
        slot_fast = jnp.where(has_free_fast, first_free_fast, dem_idx)
        demote = write & (~has_free_fast)
        # demoted hidden captured BEFORE fast overwrite
        dh = fast_mem[barange, dem_idx]  # [B, D]
        free_slow = ~slow_used
        has_free_slow = jnp.any(free_slow, axis=1)
        first_free_slow = jnp.argmax(free_slow, axis=1)
        ss = jnp.where(has_free_slow, first_free_slow, jnp.argmax(slow_age, axis=1))
        # slow write (only where demotion happens)
        cur_s = slow_mem[barange, ss]
        slow_mem = slow_mem.at[barange, ss].set(jnp.where(demote[:, None], dh, cur_s))
        slow_age = slow_age.at[barange, ss].set(jnp.where(demote, 0, slow_age[barange, ss]))
        slow_used = slow_used.at[barange, ss].set(jnp.where(demote, True, slow_used[barange, ss]))
        # fast write (where gate fires); stored value is detached, matching tok_h.detach()
        cur_f = fast_mem[barange, slot_fast]
        val = jax.lax.stop_gradient(tok_h)
        fast_mem = fast_mem.at[barange, slot_fast].set(jnp.where(write[:, None], val, cur_f))
        fast_age = fast_age.at[barange, slot_fast].set(jnp.where(write, 0, fast_age[barange, slot_fast]))
        fast_used = fast_used.at[barange, slot_fast].set(jnp.where(write, True, fast_used[barange, slot_fast]))
    return fast_mem, slow_mem, fast_used.astype(jnp.float32), slow_used.astype(jnp.float32)


def reference(h, wg, bg, wd, bd):
    return _forward(h, wg, bg, wd, bd)

if __name__ == "__main__":
    import jax
    _d = setup_inputs()
    print(jax.jit(kernel)(*tuple(_d.values())))

</pallas_src>

<mosaic_0001>
#map = affine_map<(d0, d1) -> (0, 0)>
#map1 = affine_map<(d0, d1) -> (0)>
#map2 = affine_map<(d0, d1) -> (0, 0, 0)>
module attributes {stable_mosaic.version = 14 : i64} {
  func.func @_sc_scan_gather(%arg0: i32, %arg1: i32, %arg2: memref<4096x512xf32, #tpu.memory_space<hbm>>, %arg3: memref<8192xf32, #tpu.memory_space<hbm>>, %arg4: memref<32x16x512xf32, #tpu.memory_space<hbm>>, %arg5: memref<32x64x512xf32, #tpu.memory_space<hbm>>, %arg6: memref<512xf32, #tpu.memory_space<hbm>>, %arg7: memref<2048xf32, #tpu.memory_space<hbm>>, %arg8: memref<272xf32, #tpu.memory_space<vmem>>, %arg9: memref<80xi32, #tpu.memory_space<vmem>>, %arg10: memref<96xf32, #tpu.memory_space<vmem>>, %arg11: memref<80x512xf32, #tpu.memory_space<vmem>>, %arg12: memref<!tpu.dma_semaphore, #tpu.memory_space<semaphore_mem>>, %arg13: memref<!tpu.dma_semaphore, #tpu.memory_space<semaphore_mem>>) attributes {dimension_semantics = [#tpu.dimension_semantics<core_parallel>, #tpu.dimension_semantics<subcore_parallel>], iteration_bounds = array<i64: 2, 16>, scalar_prefetch = 0 : i64, scratch_operands = 6 : i64, tpu.core_type = #tpu.core_type<sc_vector_subcore>, window_params = [{transform_indices = #map}, {transform_indices = #map1}, {transform_indices = #map2}, {transform_indices = #map2}, {transform_indices = #map1}, {transform_indices = #map1}]} {
    %mul3A = arith.constant 2 : i32
    %mul3A_0 = arith.muli %arg1, %mul3A : i32
    %add3A = arith.addi %mul3A_0, %arg0 : i32
    %mul3A_1 = arith.constant 2 : i32
    %mul3A_2 = arith.muli %add3A, %mul3A_1 : i32
    %mul3A_3 = arith.constant 128 : i32
    %mul3A_4 = arith.muli %mul3A_2, %mul3A_3 : i32
    "tpu.region"() ({
      %run_scoped3A = tpu.sem_alloc : memref<!tpu.dma_semaphore, #tpu.memory_space<semaphore_mem>>
      %dma_start3A_245 = arith.constant 0 : i32
      %dma_start3A_246 = tpu.memref_slice %arg8[%dma_start3A_245] : memref<272xf32, #tpu.memory_space<vmem>> -> memref<256xf32, #tpu.memory_space<vmem>>
      %dma_start3A_247 = tpu.memref_slice %arg3[%mul3A_4] : memref<8192xf32, #tpu.memory_space<hbm>> -> memref<256xf32, #tpu.memory_space<hbm>>
      %dma_start3A_248 = arith.constant 0 : i32
      %dma_start3A_249 = tpu.memref_slice %arg8[%dma_start3A_248] : memref<272xf32, #tpu.memory_space<vmem>> -> memref<256xf32, #tpu.memory_space<vmem>>
      %dma_start3A_250 = tpu.memref_slice %arg3[%mul3A_4] : memref<8192xf32, #tpu.memory_space<hbm>> -> memref<256xf32, #tpu.memory_space<hbm>>
      tpu.enqueue_dma source(%dma_start3A_250 : memref<256xf32, #tpu.memory_space<hbm>>) target(%dma_start3A_249 : memref<256xf32, #tpu.memory_space<vmem>>) target_semaphore(%run_scoped3A : memref<!tpu.dma_semaphore, #tpu.memory_space<semaphore_mem>>)
      %dma_wait3A_251 = arith.constant 0 : i32
      %dma_wait3A_252 = tpu.memref_slice %arg8[%dma_wait3A_251] : memref<272xf32, #tpu.memory_space<vmem>> -> memref<256xf32, #tpu.memory_space<vmem>>
      %dma_wait3A_253 = tpu.memref_slice %arg3[%mul3A_4] : memref<8192xf32, #tpu.memory_space<hbm>> -> memref<256xf32, #tpu.memory_space<hbm>>
      %dma_wait3A_254 = arith.constant 0 : i32
      %dma_wait3A_255 = tpu.memref_slice %arg8[%dma_wait3A_254] : memref<272xf32, #tpu.memory_space<vmem>> -> memref<256xf32, #tpu.memory_space<vmem>>
      %dma_wait3A_256 = tpu.memref_slice %arg3[%mul3A_4] : memref<8192xf32, #tpu.memory_space<hbm>> -> memref<256xf32, #tpu.memory_space<hbm>>
      tpu.wait_dma2 semaphore(%run_scoped3A : memref<!tpu.dma_semaphore, #tpu.memory_space<semaphore_mem>>) src(%dma_wait3A_256 : memref<256xf32, #tpu.memory_space<hbm>>) dst(%dma_wait3A_255 : memref<256xf32, #tpu.memory_space<vmem>>)
      tpu.yield
    }) : () -> ()
    %iota3A = tpu.iota {dimensions = array<i32: 0>} : vector<16xi32>
    %broadcast_in_dim3A = arith.constant 0 : i32
    %broadcast_in_dim3A_5 = vector.broadcast %broadcast_in_dim3A : i32 to vector<16xi32>
    %swap3A = arith.constant 0 : index
    %swap3A_6 = tpu.vector_load %arg9[%swap3A] {strides = array<i32>} : memref<80xi32, #tpu.memory_space<vmem>>, vector<16xi32>,
    %swap3A_7 = vector.shape_cast %swap3A_6 : vector<16xi32> to vector<16xi32>
    %swap3A_8 = vector.shape_cast %broadcast_in_dim3A_5 : vector<16xi32> to vector<16xi32>
    tpu.vector_store %arg9[%swap3A], %swap3A_8 {strides = array<i32>} : memref<80xi32, #tpu.memory_space<vmem>>, vector<16xi32>,
    %swap3A_9 = arith.constant 16 : index
    %swap3A_10 = tpu.vector_load %arg9[%swap3A_9] {strides = array<i32>} : memref<80xi32, #tpu.memory_space<vmem>>, vector<16xi32>,
    %swap3A_11 = vector.shape_cast %swap3A_10 : vector<16xi32> to vector<16xi32>
    %swap3A_12 = vector.shape_cast %broadcast_in_dim3A_5 : vector<16xi32> to vector<16xi32>
    tpu.vector_store %arg9[%swap3A_9], %swap3A_12 {strides = array<i32>} : memref<80xi32, #tpu.memory_space<vmem>>, vector<16xi32>,
    %swap3A_13 = arith.constant 32 : index
    %swap3A_14 = tpu.vector_load %arg9[%swap3A_13] {strides = array<i32>} : memref<80xi32, #tpu.memory_space<vmem>>, vector<16xi32>,
    %swap3A_15 = vector.shape_cast %swap3A_14 : vector<16xi32> to vector<16xi32>
    %swap3A_16 = vector.shape_cast %broadcast_in_dim3A_5 : vector<16xi32> to vector<16xi32>
    tpu.vector_store %arg9[%swap3A_13], %swap3A_16 {strides = array<i32>} : memref<80xi32, #tpu.memory_space<vmem>>, vector<16xi32>,
    %swap3A_17 = arith.constant 48 : index
    %swap3A_18 = tpu.vector_load %arg9[%swap3A_17] {strides = array<i32>} : memref<80xi32, #tpu.memory_space<vmem>>, vector<16xi32>,
    %swap3A_19 = vector.shape_cast %swap3A_18 : vector<16xi32> to vector<16xi32>
    %swap3A_20 = vector.shape_cast %broadcast_in_dim3A_5 : vector<16xi32> to vector<16xi32>
    tpu.vector_store %arg9[%swap3A_17], %swap3A_20 {strides = array<i32>} : memref<80xi32, #tpu.memory_space<vmem>>, vector<16xi32>,
    %swap3A_21 = arith.constant 64 : index
    %swap3A_22 = tpu.vector_load %arg9[%swap3A_21] {strides = array<i32>} : memref<80xi32, #tpu.memory_space<vmem>>, vector<16xi32>,
    %swap3A_23 = vector.shape_cast %swap3A_22 : vector<16xi32> to vector<16xi32>
    %swap3A_24 = vector.shape_cast %broadcast_in_dim3A_5 : vector<16xi32> to vector<16xi32>
    tpu.vector_store %arg9[%swap3A_21], %swap3A_24 {strides = array<i32>} : memref<80xi32, #tpu.memory_space<vmem>>, vector<16xi32>,
    %convert_element_type3A = arith.sitofp %iota3A : vector<16xi32> to vector<16xf32>
    %broadcast_in_dim3A_25 = arith.constant 0.000000e+00 : f32
    %broadcast_in_dim3A_26 = vector.broadcast %broadcast_in_dim3A_25 : f32 to vector<16xf32>
    %broadcast_in_dim3A_27 = arith.constant 0.000000e+00 : f32
    %broadcast_in_dim3A_28 = vector.broadcast %broadcast_in_dim3A_27 : f32 to vector<16xf32>
    %broadcast_in_dim3A_29 = arith.constant 0 : i32
    %broadcast_in_dim3A_30 = vector.broadcast %broadcast_in_dim3A_29 : i32 to vector<16xi32>
    %scan3A = arith.constant 0 : i32
    %scan3A_31 = arith.constant 0 : i32
    %scan3A_32 = arith.constant 0 : i32
    %scan3A_33 = arith.constant 125 : i32
    %scan3A_34 = arith.addi %scan3A_32, %scan3A_33 : i32
    %scan3A_35 = arith.constant 1 : i32
    %scan3A_36:4 = scf.for %scan3A_245 = %scan3A_32 to %scan3A_34 step %scan3A_35 iter_args(%scan3A_246 = %broadcast_in_dim3A_28, %scan3A_247 = %broadcast_in_dim3A_30, %scan3A_248 = %scan3A, %scan3A_249 = %scan3A_31) -> (vector<16xf32>, vector<16xi32>, i32, i32)  : i32 {
      %mul3A_250 = arith.constant 2 : i32
      %mul3A_251 = arith.muli %mul3A_250, %scan3A_245 : i32
      %get3A_252 = arith.index_cast %mul3A_251 : i32 to index
      %get3A_253 = tpu.vector_load %arg8[%get3A_252] {strides = array<i32>} : memref<272xf32, #tpu.memory_space<vmem>>, vector<16xf32>,
      %get3A_254 = vector.shape_cast %get3A_253 : vector<16xf32> to vector<16xf32>
      %slice3A = vector.extract_strided_slice %get3A_254 {offsets = [0], sizes = [1], strides = [1]} : vector<16xf32> to vector<1xf32>
      %squeeze3A = vector.extract %slice3A[0] : f32 from vector<1xf32>
      %ge3A = arith.constant 4.000000e-01 : f32
      %ge3A_255 = arith.cmpf oge, %squeeze3A, %ge3A : f32
      %convert_element_type3A_256 = arith.extui %ge3A_255 : i1 to i32
      %ge3A_257 = arith.constant 16 : i32
      %ge3A_258 = arith.cmpi sge, %scan3A_248, %ge3A_257 : i32
      %convert_element_type3A_259 = arith.extui %ge3A_258 : i1 to i32
      %xor3A = arith.constant 8 : i32
      %xor3A_260 = vector.broadcast %xor3A : i32 to vector<16xi32>
      %xor3A_261 = arith.xori %iota3A, %xor3A_260 : vector<16xi32>
      %broadcast_in_dim3A_262 = vector.shape_cast %xor3A_261 : vector<16xi32> to vector<16x1xi32>
      %gather3A = vector.shape_cast %broadcast_in_dim3A_262 : vector<16x1xi32> to vector<16xi32>
      %gather3A_263 = tpu.dynamic_gather %scan3A_246[%gather3A] in [0] : vector<16xf32>, vector<16xi32> -> vector<16xf32>
      %min3A_264 = arith.minimumf %scan3A_246, %gather3A_263 : vector<16xf32>
      %xor3A_265 = arith.constant 4 : i32
      %xor3A_266 = vector.broadcast %xor3A_265 : i32 to vector<16xi32>
      %xor3A_267 = arith.xori %iota3A, %xor3A_266 : vector<16xi32>
      %broadcast_in_dim3A_268 = vector.shape_cast %xor3A_267 : vector<16xi32> to vector<16x1xi32>
      %gather3A_269 = vector.shape_cast %broadcast_in_dim3A_268 : vector<16x1xi32> to vector<16xi32>
      %gather3A_270 = tpu.dynamic_gather %min3A_264[%gather3A_269] in [0] : vector<16xf32>, vector<16xi32> -> vector<16xf32>
      %min3A_271 = arith.minimumf %min3A_264, %gather3A_270 : vector<16xf32>
      %xor3A_272 = arith.constant 2 : i32
      %xor3A_273 = vector.broadcast %xor3A_272 : i32 to vector<16xi32>
      %xor3A_274 = arith.xori %iota3A, %xor3A_273 : vector<16xi32>
      %broadcast_in_dim3A_275 = vector.shape_cast %xor3A_274 : vector<16xi32> to vector<16x1xi32>
      %gather3A_276 = vector.shape_cast %broadcast_in_dim3A_275 : vector<16x1xi32> to vector<16xi32>
      %gather3A_277 = tpu.dynamic_gather %min3A_271[%gather3A_276] in [0] : vector<16xf32>, vector<16xi32> -> vector<16xf32>
      %min3A_278 = arith.minimumf %min3A_271, %gather3A_277 : vector<16xf32>
      %xor3A_279 = arith.constant 1 : i32
      %xor3A_280 = vector.broadcast %xor3A_279 : i32 to vector<16xi32>
      %xor3A_281 = arith.xori %iota3A, %xor3A_280 : vector<16xi32>
      %broadcast_in_dim3A_282 = vector.shape_cast %xor3A_281 : vector<16xi32> to vector<16x1xi32>
      %gather3A_283 = vector.shape_cast %broadcast_in_dim3A_282 : vector<16x1xi32> to vector<16xi32>
      %gather3A_284 = tpu.dynamic_gather %min3A_278[%gather3A_283] in [0] : vector<16xf32>, vector<16xi32> -> vector<16xf32>
      %min3A_285 = arith.minimumf %min3A_278, %gather3A_284 : vector<16xf32>
      %eq3A = arith.cmpf oeq, %scan3A_246, %min3A_285 : vector<16xf32>
      %jit3A_286 = arith.constant 1.600000e+01 : f32
      %broadcast_in_dim3A_287 = vector.broadcast %jit3A_286 : f32 to vector<16xf32>
      %select_n3A_288 = arith.select %eq3A, %convert_element_type3A, %broadcast_in_dim3A_287 : vector<16xi1>, vector<16xf32>
      %xor3A_289 = arith.constant 8 : i32
      %xor3A_290 = vector.broadcast %xor3A_289 : i32 to vector<16xi32>
      %xor3A_291 = arith.xori %iota3A, %xor3A_290 : vector<16xi32>
      %broadcast_in_dim3A_292 = vector.shape_cast %xor3A_291 : vector<16xi32> to vector<16x1xi32>
      %gather3A_293 = vector.shape_cast %broadcast_in_dim3A_292 : vector<16x1xi32> to vector<16xi32>
      %gather3A_294 = tpu.dynamic_gather %select_n3A_288[%gather3A_293] in [0] : vector<16xf32>, vector<16xi32> -> vector<16xf32>
      %min3A_295 = arith.minimumf %select_n3A_288, %gather3A_294 : vector<16xf32>
      %xor3A_296 = arith.constant 4 : i32
      %xor3A_297 = vector.broadcast %xor3A_296 : i32 to vector<16xi32>
      %xor3A_298 = arith.xori %iota3A, %xor3A_297 : vector<16xi32>
      %broadcast_in_dim3A_299 = vector.shape_cast %xor3A_298 : vector<16xi32> to vector<16x1xi32>
      %gather3A_300 = vector.shape_cast %broadcast_in_dim3A_299 : vector<16x1xi32> to vector<16xi32>
      %gather3A_301 = tpu.dynamic_gather %min3A_295[%gather3A_300] in [0] : vector<16xf32>, vector<16xi32> -> vector<16xf32>
      %min3A_302 = arith.minimumf %min3A_295, %gather3A_301 : vector<16xf32>
      %xor3A_303 = arith.constant 2 : i32
      %xor3A_304 = vector.broadcast %xor3A_303 : i32 to vector<16xi32>
      %xor3A_305 = arith.xori %iota3A, %xor3A_304 : vector<16xi32>
      %broadcast_in_dim3A_306 = vector.shape_cast %xor3A_305 : vector<16xi32> to vector<16x1xi32>
      %gather3A_307 = vector.shape_cast %broadcast_in_dim3A_306 : vector<16x1xi32> to vector<16xi32>
      %gather3A_308 = tpu.dynamic_gather %min3A_302[%gather3A_307] in [0] : vector<16xf32>, vector<16xi32> -> vector<16xf32>
      %min3A_309 = arith.minimumf %min3A_302, %gather3A_308 : vector<16xf32>
      %xor3A_310 = arith.constant 1 : i32
      %xor3A_311 = vector.broadcast %xor3A_310 : i32 to vector<16xi32>
      %xor3A_312 = arith.xori %iota3A, %xor3A_311 : vector<16xi32>
      %broadcast_in_dim3A_313 = vector.shape_cast %xor3A_312 : vector<16xi32> to vector<16x1xi32>
      %gather3A_314 = vector.shape_cast %broadcast_in_dim3A_313 : vector<16x1xi32> to vector<16xi32>
      %gather3A_315 = tpu.dynamic_gather %min3A_309[%gather3A_314] in [0] : vector<16xf32>, vector<16xi32> -> vector<16xf32>
      %min3A_316 = arith.minimumf %min3A_309, %gather3A_315 : vector<16xf32>
      %convert_element_type3A_317 = arith.fptosi %min3A_316 : vector<16xf32> to vector<16xi32>
      %broadcast_in_dim3A_318 = vector.shape_cast %convert_element_type3A_317 : vector<16xi32> to vector<16x1xi32>
      %gather3A_319 = vector.shape_cast %broadcast_in_dim3A_318 : vector<16x1xi32> to vector<16xi32>
      %gather3A_320 = tpu.dynamic_gather %scan3A_247[%gather3A_319] in [0] : vector<16xi32>, vector<16xi32> -> vector<16xi32>
      %add3A_321 = vector.broadcast %convert_element_type3A_259 : i32 to vector<16xi32>
      %add3A_322 = arith.addi %broadcast_in_dim3A_5, %add3A_321 : vector<16xi32>
      %mul3A_323 = arith.muli %add3A_322, %convert_element_type3A_317 : vector<16xi32>
      %sub3A = arith.constant 1 : i32
      %sub3A_324 = vector.broadcast %sub3A : i32 to vector<16xi32>
      %sub3A_325 = arith.subi %sub3A_324, %add3A_322 : vector<16xi32>
      %add3A_326 = vector.broadcast %scan3A_248 : i32 to vector<16xi32>
      %add3A_327 = arith.addi %broadcast_in_dim3A_5, %add3A_326 : vector<16xi32>
      %mul3A_328 = arith.muli %sub3A_325, %add3A_327 : vector<16xi32>
      %add3A_329 = arith.addi %mul3A_323, %mul3A_328 : vector<16xi32>
      %mul3A_330 = vector.broadcast %convert_element_type3A_256 : i32 to vector<16xi32>
      %mul3A_331 = arith.muli %add3A_329, %mul3A_330 : vector<16xi32>
      %sub3A_332 = arith.constant 1 : i32
      %sub3A_333 = arith.subi %sub3A_332, %convert_element_type3A_256 : i32
      %mul3A_334 = arith.constant 16 : i32
      %mul3A_335 = arith.muli %mul3A_334, %sub3A_333 : i32
      %add3A_336 = vector.broadcast %mul3A_335 : i32 to vector<16xi32>
      %add3A_337 = arith.addi %mul3A_331, %add3A_336 : vector<16xi32>
      %slice3A_338 = vector.extract_strided_slice %get3A_254 {offsets = [1], sizes = [1], strides = [1]} : vector<16xf32> to vector<1xf32>
      %squeeze3A_339 = vector.extract %slice3A_338[0] : f32 from vector<1xf32>
      %add3A_340 = vector.broadcast %squeeze3A_339 : f32 to vector<16xf32>
      %add3A_341 = arith.addf %broadcast_in_dim3A_26, %add3A_340 : vector<16xf32>
      %convert_element_type3A_342 = arith.sitofp %add3A_337 : vector<16xi32> to vector<16xf32>
      %eq3A_343 = arith.cmpf oeq, %convert_element_type3A, %convert_element_type3A_342 : vector<16xf32>
      %select_n3A_344 = arith.select %eq3A_343, %add3A_341, %scan3A_246 : vector<16xi1>, vector<16xf32>
      %eq3A_345 = arith.cmpi eq, %iota3A, %add3A_337 : vector<16xi32>
      %add3A_346 = vector.broadcast %scan3A_245 : i32 to vector<16xi32>
      %add3A_347 = arith.addi %broadcast_in_dim3A_5, %add3A_346 : vector<16xi32>
      %select_n3A_348 = arith.select %eq3A_345, %add3A_347, %scan3A_247 : vector<16xi1>, vector<16xi32>
      %mul3A_349 = arith.muli %convert_element_type3A_256, %convert_element_type3A_259 : i32
      %and3A = arith.constant 63 : i32
      %and3A_350 = arith.andi %scan3A_249, %and3A : i32
      %and3A_351 = arith.constant 15 : i32
      %and3A_352 = arith.andi %and3A_350, %and3A_351 : i32
      %add3A_353 = arith.constant 16 : i32
      %add3A_354 = arith.addi %add3A_353, %and3A_350 : i32
      %sub3A_355 = arith.subi %add3A_354, %and3A_352 : i32
      %mul3A_356 = arith.muli %and3A_352, %mul3A_349 : i32
      %sub3A_357 = arith.constant 1 : i32
      %sub3A_358 = arith.subi %sub3A_357, %mul3A_349 : i32
      %mul3A_359 = arith.constant 16 : i32
      %mul3A_360 = arith.muli %mul3A_359, %sub3A_358 : i32
      %add3A_361 = arith.addi %mul3A_356, %mul3A_360 : i32
      %add3A_362 = vector.broadcast %add3A_361 : i32 to vector<16xi32>
      %add3A_363 = arith.addi %broadcast_in_dim3A_5, %add3A_362 : vector<16xi32>
      %get3A_364 = arith.index_cast %sub3A_355 : i32 to index
      %get3A_365 = tpu.vector_load %arg9[%get3A_364] {strides = array<i32>} : memref<80xi32, #tpu.memory_space<vmem>>, vector<16xi32>,
      %get3A_366 = vector.shape_cast %get3A_365 : vector<16xi32> to vector<16xi32>
      %eq3A_367 = arith.cmpi eq, %iota3A, %add3A_363 : vector<16xi32>
      %select_n3A_368 = arith.select %eq3A_367, %gather3A_320, %get3A_366 : vector<16xi1>, vector<16xi32>
      %swap3A_369 = arith.index_cast %sub3A_355 : i32 to index
      %swap3A_370 = tpu.vector_load %arg9[%swap3A_369] {strides = array<i32>} : memref<80xi32, #tpu.memory_space<vmem>>, vector<16xi32>,
      %swap3A_371 = vector.shape_cast %swap3A_370 : vector<16xi32> to vector<16xi32>
      %swap3A_372 = vector.shape_cast %select_n3A_368 : vector<16xi32> to vector<16xi32>
      tpu.vector_store %arg9[%swap3A_369], %swap3A_372 {strides = array<i32>} : memref<80xi32, #tpu.memory_space<vmem>>, vector<16xi32>,
      %sub3A_373 = arith.constant 1 : i32
      %sub3A_374 = arith.subi %sub3A_373, %convert_element_type3A_259 : i32
      %mul3A_375 = arith.muli %convert_element_type3A_256, %sub3A_374 : i32
      %add3A_376 = arith.addi %scan3A_248, %mul3A_375 : i32
      %add3A_377 = arith.addi %scan3A_249, %mul3A_349 : i32
      scf.yield %select_n3A_344, %select_n3A_348, %add3A_376, %add3A_377 : vector<16xf32>, vector<16xi32>, i32, i32
    }
    %scan3A_37 = arith.constant 125 : i32
    %min3A = arith.constant 64 : i32
    %min3A_38 = arith.minsi %scan3A_36#3, %min3A : i32
    %convert_element_type3A_39 = arith.sitofp %scan3A_36#2 : i32 to f32
    %convert_element_type3A_40 = arith.sitofp %min3A_38 : i32 to f32
    %mul3A_41 = arith.constant 128 : i32
    %mul3A_42 = arith.muli %add3A, %mul3A_41 : i32
    %add3A_43 = vector.broadcast %scan3A_36#2 : i32 to vector<16xi32>
    %add3A_44 = arith.addi %broadcast_in_dim3A_5, %add3A_43 : vector<16xi32>
    %lt3A = arith.cmpi slt, %iota3A, %add3A_44 : vector<16xi32>
    %jit3A = arith.constant 0 : i32
    %broadcast_in_dim3A_45 = vector.broadcast %jit3A : i32 to vector<16xi32>
    %select_n3A = arith.select %lt3A, %scan3A_36#1, %broadcast_in_dim3A_45 : vector<16xi1>, vector<16xi32>
    %add3A_46 = vector.broadcast %mul3A_42 : i32 to vector<16xi32>
    %add3A_47 = arith.addi %select_n3A, %add3A_46 : vector<16xi32>
    %swap3A_48 = arith.constant 0 : index
    %swap3A_49 = tpu.vector_load %arg9[%swap3A_48] {strides = array<i32>} : memref<80xi32, #tpu.memory_space<vmem>>, vector<16xi32>,
    %swap3A_50 = vector.shape_cast %swap3A_49 : vector<16xi32> to vector<16xi32>
    %swap3A_51 = vector.shape_cast %add3A_47 : vector<16xi32> to vector<16xi32>
    tpu.vector_store %arg9[%swap3A_48], %swap3A_51 {strides = array<i32>} : memref<80xi32, #tpu.memory_space<vmem>>, vector<16xi32>,
    %add3A_52 = vector.broadcast %convert_element_type3A_39 : f32 to vector<16xf32>
    %add3A_53 = arith.addf %broadcast_in_dim3A_26, %add3A_52 : vector<16xf32>
    %lt3A_54 = arith.cmpf olt, %convert_element_type3A, %add3A_53 : vector<16xf32>
    %jit3A_55 = arith.constant 1.000000e+00 : f32
    %jit3A_56 = arith.constant 0.000000e+00 : f32
    %broadcast_in_dim3A_57 = vector.broadcast %jit3A_55 : f32 to vector<16xf32>
    %broadcast_in_dim3A_58 = vector.broadcast %jit3A_56 : f32 to vector<16xf32>
    %select_n3A_59 = arith.select %lt3A_54, %broadcast_in_dim3A_57, %broadcast_in_dim3A_58 : vector<16xi1>, vector<16xf32>
    %swap3A_60 = arith.constant 0 : index
    %swap3A_61 = tpu.vector_load %arg10[%swap3A_60] {strides = array<i32>} : memref<96xf32, #tpu.memory_space<vmem>>, vector<16xf32>,
    %swap3A_62 = vector.shape_cast %swap3A_61 : vector<16xf32> to vector<16xf32>
    %swap3A_63 = vector.shape_cast %select_n3A_59 : vector<16xf32> to vector<16xf32>
    tpu.vector_store %arg10[%swap3A_60], %swap3A_63 {strides = array<i32>} : memref<96xf32, #tpu.memory_space<vmem>>, vector<16xf32>,
    %get3A = arith.constant 16 : index
    %get3A_64 = tpu.vector_load %arg9[%get3A] {strides = array<i32>} : memref<80xi32, #tpu.memory_space<vmem>>, vector<16xi32>,
    %get3A_65 = vector.shape_cast %get3A_64 : vector<16xi32> to vector<16xi32>
    %add3A_66 = arith.constant 0 : i32
    %add3A_67 = vector.broadcast %add3A_66 : i32 to vector<16xi32>
    %add3A_68 = arith.addi %iota3A, %add3A_67 : vector<16xi32>
    %add3A_69 = vector.broadcast %min3A_38 : i32 to vector<16xi32>
    %add3A_70 = arith.addi %broadcast_in_dim3A_5, %add3A_69 : vector<16xi32>
    %lt3A_71 = arith.cmpi slt, %add3A_68, %add3A_70 : vector<16xi32>
    %jit3A_72 = arith.constant 0 : i32
    %broadcast_in_dim3A_73 = vector.broadcast %jit3A_72 : i32 to vector<16xi32>
    %select_n3A_74 = arith.select %lt3A_71, %get3A_65, %broadcast_in_dim3A_73 : vector<16xi1>, vector<16xi32>
    %add3A_75 = vector.broadcast %mul3A_42 : i32 to vector<16xi32>
    %add3A_76 = arith.addi %select_n3A_74, %add3A_75 : vector<16xi32>
    %swap3A_77 = arith.constant 16 : index
    %swap3A_78 = tpu.vector_load %arg9[%swap3A_77] {strides = array<i32>} : memref<80xi32, #tpu.memory_space<vmem>>, vector<16xi32>,
    %swap3A_79 = vector.shape_cast %swap3A_78 : vector<16xi32> to vector<16xi32>
    %swap3A_80 = vector.shape_cast %add3A_76 : vector<16xi32> to vector<16xi32>
    tpu.vector_store %arg9[%swap3A_77], %swap3A_80 {strides = array<i32>} : memref<80xi32, #tpu.memory_space<vmem>>, vector<16xi32>,
    %add3A_81 = arith.constant 0.000000e+00 : f32
    %add3A_82 = vector.broadcast %add3A_81 : f32 to vector<16xf32>
    %add3A_83 = arith.addf %convert_element_type3A, %add3A_82 : vector<16xf32>
    %add3A_84 = vector.broadcast %convert_element_type3A_40 : f32 to vector<16xf32>
    %add3A_85 = arith.addf %broadcast_in_dim3A_26, %add3A_84 : vector<16xf32>
    %lt3A_86 = arith.cmpf olt, %add3A_83, %add3A_85 : vector<16xf32>
    %jit3A_87 = arith.constant 1.000000e+00 : f32
    %jit3A_88 = arith.constant 0.000000e+00 : f32
    %broadcast_in_dim3A_89 = vector.broadcast %jit3A_87 : f32 to vector<16xf32>
    %broadcast_in_dim3A_90 = vector.broadcast %jit3A_88 : f32 to vector<16xf32>
    %select_n3A_91 = arith.select %lt3A_86, %broadcast_in_dim3A_89, %broadcast_in_dim3A_90 : vector<16xi1>, vector<16xf32>
    %swap3A_92 = arith.constant 16 : index
    %swap3A_93 = tpu.vector_load %arg10[%swap3A_92] {strides = array<i32>} : memref<96xf32, #tpu.memory_space<vmem>>, vector<16xf32>,
    %swap3A_94 = vector.shape_cast %swap3A_93 : vector<16xf32> to vector<16xf32>
    %swap3A_95 = vector.shape_cast %select_n3A_91 : vector<16xf32> to vector<16xf32>
    tpu.vector_store %arg10[%swap3A_92], %swap3A_95 {strides = array<i32>} : memref<96xf32, #tpu.memory_space<vmem>>, vector<16xf32>,
    %get3A_96 = arith.constant 32 : index
    %get3A_97 = tpu.vector_load %arg9[%get3A_96] {strides = array<i32>} : memref<80xi32, #tpu.memory_space<vmem>>, vector<16xi32>,
    %get3A_98 = vector.shape_cast %get3A_97 : vector<16xi32> to vector<16xi32>
    %add3A_99 = arith.constant 16 : i32
    %add3A_100 = vector.broadcast %add3A_99 : i32 to vector<16xi32>
    %add3A_101 = arith.addi %iota3A, %add3A_100 : vector<16xi32>
    %add3A_102 = vector.broadcast %min3A_38 : i32 to vector<16xi32>
    %add3A_103 = arith.addi %broadcast_in_dim3A_5, %add3A_102 : vector<16xi32>
    %lt3A_104 = arith.cmpi slt, %add3A_101, %add3A_103 : vector<16xi32>
    %jit3A_105 = arith.constant 0 : i32
    %broadcast_in_dim3A_106 = vector.broadcast %jit3A_105 : i32 to vector<16xi32>
    %select_n3A_107 = arith.select %lt3A_104, %get3A_98, %broadcast_in_dim3A_106 : vector<16xi1>, vector<16xi32>
    %add3A_108 = vector.broadcast %mul3A_42 : i32 to vector<16xi32>
    %add3A_109 = arith.addi %select_n3A_107, %add3A_108 : vector<16xi32>
    %swap3A_110 = arith.constant 32 : index
    %swap3A_111 = tpu.vector_load %arg9[%swap3A_110] {strides = array<i32>} : memref<80xi32, #tpu.memory_space<vmem>>, vector<16xi32>,
    %swap3A_112 = vector.shape_cast %swap3A_111 : vector<16xi32> to vector<16xi32>
    %swap3A_113 = vector.shape_cast %add3A_109 : vector<16xi32> to vector<16xi32>
    tpu.vector_store %arg9[%swap3A_110], %swap3A_113 {strides = array<i32>} : memref<80xi32, #tpu.memory_space<vmem>>, vector<16xi32>,
    %add3A_114 = arith.constant 1.600000e+01 : f32
    %add3A_115 = vector.broadcast %add3A_114 : f32 to vector<16xf32>
    %add3A_116 = arith.addf %convert_element_type3A, %add3A_115 : vector<16xf32>
    %add3A_117 = vector.broadcast %convert_element_type3A_40 : f32 to vector<16xf32>
    %add3A_118 = arith.addf %broadcast_in_dim3A_26, %add3A_117 : vector<16xf32>
    %lt3A_119 = arith.cmpf olt, %add3A_116, %add3A_118 : vector<16xf32>
    %jit3A_120 = arith.constant 1.000000e+00 : f32
    %jit3A_121 = arith.constant 0.000000e+00 : f32
    %broadcast_in_dim3A_122 = vector.broadcast %jit3A_120 : f32 to vector<16xf32>
    %broadcast_in_dim3A_123 = vector.broadcast %jit3A_121 : f32 to vector<16xf32>
    %select_n3A_124 = arith.select %lt3A_119, %broadcast_in_dim3A_122, %broadcast_in_dim3A_123 : vector<16xi1>, vector<16xf32>
    %swap3A_125 = arith.constant 32 : index
    %swap3A_126 = tpu.vector_load %arg10[%swap3A_125] {strides = array<i32>} : memref<96xf32, #tpu.memory_space<vmem>>, vector<16xf32>,
    %swap3A_127 = vector.shape_cast %swap3A_126 : vector<16xf32> to vector<16xf32>
    %swap3A_128 = vector.shape_cast %select_n3A_124 : vector<16xf32> to vector<16xf32>
    tpu.vector_store %arg10[%swap3A_125], %swap3A_128 {strides = array<i32>} : memref<96xf32, #tpu.memory_space<vmem>>, vector<16xf32>,
    %get3A_129 = arith.constant 48 : index
    %get3A_130 = tpu.vector_load %arg9[%get3A_129] {strides = array<i32>} : memref<80xi32, #tpu.memory_space<vmem>>, vector<16xi32>,
    %get3A_131 = vector.shape_cast %get3A_130 : vector<16xi32> to vector<16xi32>
    %add3A_132 = arith.constant 32 : i32
    %add3A_133 = vector.broadcast %add3A_132 : i32 to vector<16xi32>
    %add3A_134 = arith.addi %iota3A, %add3A_133 : vector<16xi32>
    %add3A_135 = vector.broadcast %min3A_38 : i32 to vector<16xi32>
    %add3A_136 = arith.addi %broadcast_in_dim3A_5, %add3A_135 : vector<16xi32>
    %lt3A_137 = arith.cmpi slt, %add3A_134, %add3A_136 : vector<16xi32>
    %jit3A_138 = arith.constant 0 : i32
    %broadcast_in_dim3A_139 = vector.broadcast %jit3A_138 : i32 to vector<16xi32>
    %select_n3A_140 = arith.select %lt3A_137, %get3A_131, %broadcast_in_dim3A_139 : vector<16xi1>, vector<16xi32>
    %add3A_141 = vector.broadcast %mul3A_42 : i32 to vector<16xi32>
    %add3A_142 = arith.addi %select_n3A_140, %add3A_141 : vector<16xi32>
    %swap3A_143 = arith.constant 48 : index
    %swap3A_144 = tpu.vector_load %arg9[%swap3A_143] {strides = array<i32>} : memref<80xi32, #tpu.memory_space<vmem>>, vector<16xi32>,
    %swap3A_145 = vector.shape_cast %swap3A_144 : vector<16xi32> to vector<16xi32>
    %swap3A_146 = vector.shape_cast %add3A_142 : vector<16xi32> to vector<16xi32>
    tpu.vector_store %arg9[%swap3A_143], %swap3A_146 {strides = array<i32>} : memref<80xi32, #tpu.memory_space<vmem>>, vector<16xi32>,
    %add3A_147 = arith.constant 3.200000e+01 : f32
    %add3A_148 = vector.broadcast %add3A_147 : f32 to vector<16xf32>
    %add3A_149 = arith.addf %convert_element_type3A, %add3A_148 : vector<16xf32>
    %add3A_150 = vector.broadcast %convert_element_type3A_40 : f32 to vector<16xf32>
    %add3A_151 = arith.addf %broadcast_in_dim3A_26, %add3A_150 : vector<16xf32>
    %lt3A_152 = arith.cmpf olt, %add3A_149, %add3A_151 : vector<16xf32>
    %jit3A_153 = arith.constant 1.000000e+00 : f32
    %jit3A_154 = arith.constant 0.000000e+00 : f32
    %broadcast_in_dim3A_155 = vector.broadcast %jit3A_153 : f32 to vector<16xf32>
    %broadcast_in_dim3A_156 = vector.broadcast %jit3A_154 : f32 to vector<16xf32>
    %select_n3A_157 = arith.select %lt3A_152, %broadcast_in_dim3A_155, %broadcast_in_dim3A_156 : vector<16xi1>, vector<16xf32>
    %swap3A_158 = arith.constant 48 : index
    %swap3A_159 = tpu.vector_load %arg10[%swap3A_158] {strides = array<i32>} : memref<96xf32, #tpu.memory_space<vmem>>, vector<16xf32>,
    %swap3A_160 = vector.shape_cast %swap3A_159 : vector<16xf32> to vector<16xf32>
    %swap3A_161 = vector.shape_cast %select_n3A_157 : vector<16xf32> to vector<16xf32>
    tpu.vector_store %arg10[%swap3A_158], %swap3A_161 {strides = array<i32>} : memref<96xf32, #tpu.memory_space<vmem>>, vector<16xf32>,
    %get3A_162 = arith.constant 64 : index
    %get3A_163 = tpu.vector_load %arg9[%get3A_162] {strides = array<i32>} : memref<80xi32, #tpu.memory_space<vmem>>, vector<16xi32>,
    %get3A_164 = vector.shape_cast %get3A_163 : vector<16xi32> to vector<16xi32>
    %add3A_165 = arith.constant 48 : i32
    %add3A_166 = vector.broadcast %add3A_165 : i32 to vector<16xi32>
    %add3A_167 = arith.addi %iota3A, %add3A_166 : vector<16xi32>
    %add3A_168 = vector.broadcast %min3A_38 : i32 to vector<16xi32>
    %add3A_169 = arith.addi %broadcast_in_dim3A_5, %add3A_168 : vector<16xi32>
    %lt3A_170 = arith.cmpi slt, %add3A_167, %add3A_169 : vector<16xi32>
    %jit3A_171 = arith.constant 0 : i32
    %broadcast_in_dim3A_172 = vector.broadcast %jit3A_171 : i32 to vector<16xi32>
    %select_n3A_173 = arith.select %lt3A_170, %get3A_164, %broadcast_in_dim3A_172 : vector<16xi1>, vector<16xi32>
    %add3A_174 = vector.broadcast %mul3A_42 : i32 to vector<16xi32>
    %add3A_175 = arith.addi %select_n3A_173, %add3A_174 : vector<16xi32>
    %swap3A_176 = arith.constant 64 : index
    %swap3A_177 = tpu.vector_load %arg9[%swap3A_176] {strides = array<i32>} : memref<80xi32, #tpu.memory_space<vmem>>, vector<16xi32>,
    %swap3A_178 = vector.shape_cast %swap3A_177 : vector<16xi32> to vector<16xi32>
    %swap3A_179 = vector.shape_cast %add3A_175 : vector<16xi32> to vector<16xi32>
    tpu.vector_store %arg9[%swap3A_176], %swap3A_179 {strides = array<i32>} : memref<80xi32, #tpu.memory_space<vmem>>, vector<16xi32>,
    %add3A_180 = arith.constant 4.800000e+01 : f32
    %add3A_181 = vector.broadcast %add3A_180 : f32 to vector<16xf32>
    %add3A_182 = arith.addf %convert_element_type3A, %add3A_181 : vector<16xf32>
    %add3A_183 = vector.broadcast %convert_element_type3A_40 : f32 to vector<16xf32>
    %add3A_184 = arith.addf %broadcast_in_dim3A_26, %add3A_183 : vector<16xf32>
    %lt3A_185 = arith.cmpf olt, %add3A_182, %add3A_184 : vector<16xf32>
    %jit3A_186 = arith.constant 1.000000e+00 : f32
    %jit3A_187 = arith.constant 0.000000e+00 : f32
    %broadcast_in_dim3A_188 = vector.broadcast %jit3A_186 : f32 to vector<16xf32>
    %broadcast_in_dim3A_189 = vector.broadcast %jit3A_187 : f32 to vector<16xf32>
    %select_n3A_190 = arith.select %lt3A_185, %broadcast_in_dim3A_188, %broadcast_in_dim3A_189 : vector<16xi1>, vector<16xf32>
    %swap3A_191 = arith.constant 64 : index
    %swap3A_192 = tpu.vector_load %arg10[%swap3A_191] {strides = array<i32>} : memref<96xf32, #tpu.memory_space<vmem>>, vector<16xf32>,
    %swap3A_193 = vector.shape_cast %swap3A_192 : vector<16xf32> to vector<16xf32>
    %swap3A_194 = vector.shape_cast %select_n3A_190 : vector<16xf32> to vector<16xf32>
    tpu.vector_store %arg10[%swap3A_191], %swap3A_194 {strides = array<i32>} : memref<96xf32, #tpu.memory_space<vmem>>, vector<16xf32>,
    %dma_start3A = arith.constant 0 : i32
    %dma_start3A_195 = arith.constant 0 : i32
    %dma_start3A_196 = tpu.memref_slice %arg11[%dma_start3A, %dma_start3A_195] : memref<80x512xf32, #tpu.memory_space<vmem>> -> memref<16x512xf32, #tpu.memory_space<vmem>>
    %dma_start3A_197 = arith.constant 0 : i32
    %dma_start3A_198 = tpu.memref_slice %arg9[%dma_start3A_197] : memref<80xi32, #tpu.memory_space<vmem>> -> memref<16xi32, #tpu.memory_space<vmem>>
    %dma_start3A_199 = arith.constant 0 : i32
    %dma_start3A_200 = arith.constant 0 : i32
    %dma_start3A_201 = tpu.memref_slice %arg2[%dma_start3A_199, %dma_start3A_200] : memref<4096x512xf32, #tpu.memory_space<hbm>> -> memref<4096x512xf32, #tpu.memory_space<hbm>>
    tpu.enqueue_indirect_dma source(%dma_start3A_201 : memref<4096x512xf32, #tpu.memory_space<hbm>>) target(%dma_start3A_196 : memref<16x512xf32, #tpu.memory_space<vmem>>) offsets(%dma_start3A_198 : memref<16xi32, #tpu.memory_space<vmem>>) semaphore(%arg12 : memref<!tpu.dma_semaphore, #tpu.memory_space<semaphore_mem>>)
    %dma_start3A_202 = arith.constant 16 : i32
    %dma_start3A_203 = arith.constant 0 : i32
    %dma_start3A_204 = tpu.memref_slice %arg11[%dma_start3A_202, %dma_start3A_203] : memref<80x512xf32, #tpu.memory_space<vmem>> -> memref<64x512xf32, #tpu.memory_space<vmem>>
    %dma_start3A_205 = arith.constant 16 : i32
    %dma_start3A_206 = tpu.memref_slice %arg9[%dma_start3A_205] : memref<80xi32, #tpu.memory_space<vmem>> -> memref<64xi32, #tpu.memory_space<vmem>>
    %dma_start3A_207 = arith.constant 0 : i32
    %dma_start3A_208 = arith.constant 0 : i32
    %dma_start3A_209 = tpu.memref_slice %arg2[%dma_start3A_207, %dma_start3A_208] : memref<4096x512xf32, #tpu.memory_space<hbm>> -> memref<4096x512xf32, #tpu.memory_space<hbm>>
    tpu.enqueue_indirect_dma source(%dma_start3A_209 : memref<4096x512xf32, #tpu.memory_space<hbm>>) target(%dma_start3A_204 : memref<64x512xf32, #tpu.memory_space<vmem>>) offsets(%dma_start3A_206 : memref<64xi32, #tpu.memory_space<vmem>>) semaphore(%arg13 : memref<!tpu.dma_semaphore, #tpu.memory_space<semaphore_mem>>)
    %mul3A_210 = arith.constant 16 : i32
    %mul3A_211 = arith.muli %add3A, %mul3A_210 : i32
    "tpu.region"() ({
      %run_scoped3A = tpu.sem_alloc : memref<!tpu.dma_semaphore, #tpu.memory_space<semaphore_mem>>
      %dma_start3A_245 = arith.constant 0 : i32
      %dma_start3A_246 = tpu.memref_slice %arg10[%dma_start3A_245] : memref<96xf32, #tpu.memory_space<vmem>> -> memref<16xf32, #tpu.memory_space<vmem>>
      %dma_start3A_247 = tpu.memref_slice %arg6[%mul3A_211] : memref<512xf32, #tpu.memory_space<hbm>> -> memref<16xf32, #tpu.memory_space<hbm>>
      %dma_start3A_248 = tpu.memref_slice %arg6[%mul3A_211] : memref<512xf32, #tpu.memory_space<hbm>> -> memref<16xf32, #tpu.memory_space<hbm>>
      %dma_start3A_249 = arith.constant 0 : i32
      %dma_start3A_250 = tpu.memref_slice %arg10[%dma_start3A_249] : memref<96xf32, #tpu.memory_space<vmem>> -> memref<16xf32, #tpu.memory_space<vmem>>
      tpu.enqueue_dma source(%dma_start3A_250 : memref<16xf32, #tpu.memory_space<vmem>>) target(%dma_start3A_248 : memref<16xf32, #tpu.memory_space<hbm>>) target_semaphore(%run_scoped3A : memref<!tpu.dma_semaphore, #tpu.memory_space<semaphore_mem>>)
      %dma_wait3A_251 = arith.constant 0 : i32
      %dma_wait3A_252 = tpu.memref_slice %arg10[%dma_wait3A_251] : memref<96xf32, #tpu.memory_space<vmem>> -> memref<16xf32, #tpu.memory_space<vmem>>
      %dma_wait3A_253 = tpu.memref_slice %arg6[%mul3A_211] : memref<512xf32, #tpu.memory_space<hbm>> -> memref<16xf32, #tpu.memory_space<hbm>>
      %dma_wait3A_254 = tpu.memref_slice %arg6[%mul3A_211] : memref<512xf32, #tpu.memory_space<hbm>> -> memref<16xf32, #tpu.memory_space<hbm>>
      %dma_wait3A_255 = arith.constant 0 : i32
      %dma_wait3A_256 = tpu.memref_slice %arg10[%dma_wait3A_255] : memref<96xf32, #tpu.memory_space<vmem>> -> memref<16xf32, #tpu.memory_space<vmem>>
      tpu.wait_dma2 semaphore(%run_scoped3A : memref<!tpu.dma_semaphore, #tpu.memory_space<semaphore_mem>>) src(%dma_wait3A_256 : memref<16xf32, #tpu.memory_space<vmem>>) dst(%dma_wait3A_254 : memref<16xf32, #tpu.memory_space<hbm>>)
      tpu.yield
    }) : () -> ()
    %mul3A_212 = arith.constant 64 : i32
    %mul3A_213 = arith.muli %add3A, %mul3A_212 : i32
    "tpu.region"() ({
      %run_scoped3A = tpu.sem_alloc : memref<!tpu.dma_semaphore, #tpu.memory_space<semaphore_mem>>
      %dma_start3A_245 = arith.constant 16 : i32
      %dma_start3A_246 = tpu.memref_slice %arg10[%dma_start3A_245] : memref<96xf32, #tpu.memory_space<vmem>> -> memref<64xf32, #tpu.memory_space<vmem>>
      %dma_start3A_247 = tpu.memref_slice %arg7[%mul3A_213] : memref<2048xf32, #tpu.memory_space<hbm>> -> memref<64xf32, #tpu.memory_space<hbm>>
      %dma_start3A_248 = tpu.memref_slice %arg7[%mul3A_213] : memref<2048xf32, #tpu.memory_space<hbm>> -> memref<64xf32, #tpu.memory_space<hbm>>
      %dma_start3A_249 = arith.constant 16 : i32
      %dma_start3A_250 = tpu.memref_slice %arg10[%dma_start3A_249] : memref<96xf32, #tpu.memory_space<vmem>> -> memref<64xf32, #tpu.memory_space<vmem>>
      tpu.enqueue_dma source(%dma_start3A_250 : memref<64xf32, #tpu.memory_space<vmem>>) target(%dma_start3A_248 : memref<64xf32, #tpu.memory_space<hbm>>) target_semaphore(%run_scoped3A : memref<!tpu.dma_semaphore, #tpu.memory_space<semaphore_mem>>)
      %dma_wait3A_251 = arith.constant 16 : i32
      %dma_wait3A_252 = tpu.memref_slice %arg10[%dma_wait3A_251] : memref<96xf32, #tpu.memory_space<vmem>> -> memref<64xf32, #tpu.memory_space<vmem>>
      %dma_wait3A_253 = tpu.memref_slice %arg7[%mul3A_213] : memref<2048xf32, #tpu.memory_space<hbm>> -> memref<64xf32, #tpu.memory_space<hbm>>
      %dma_wait3A_254 = tpu.memref_slice %arg7[%mul3A_213] : memref<2048xf32, #tpu.memory_space<hbm>> -> memref<64xf32, #tpu.memory_space<hbm>>
      %dma_wait3A_255 = arith.constant 16 : i32
      %dma_wait3A_256 = tpu.memref_slice %arg10[%dma_wait3A_255] : memref<96xf32, #tpu.memory_space<vmem>> -> memref<64xf32, #tpu.memory_space<vmem>>
      tpu.wait_dma2 semaphore(%run_scoped3A : memref<!tpu.dma_semaphore, #tpu.memory_space<semaphore_mem>>) src(%dma_wait3A_256 : memref<64xf32, #tpu.memory_space<vmem>>) dst(%dma_wait3A_254 : memref<64xf32, #tpu.memory_space<hbm>>)
      tpu.yield
    }) : () -> ()
    %broadcast_in_dim3A_214 = arith.constant 0.000000e+00 : f32
    %broadcast_in_dim3A_215 = vector.broadcast %broadcast_in_dim3A_214 : f32 to vector<16xf32>
    %dma_wait3A = arith.constant 0 : i32
    %dma_wait3A_216 = arith.constant 0 : i32
    %dma_wait3A_217 = tpu.memref_slice %arg11[%dma_wait3A, %dma_wait3A_216] : memref<80x512xf32, #tpu.memory_space<vmem>> -> memref<16x512xf32, #tpu.memory_space<vmem>>
    %dma_wait3A_218 = arith.constant 0 : i32
    %dma_wait3A_219 = tpu.memref_slice %arg9[%dma_wait3A_218] : memref<80xi32, #tpu.memory_space<vmem>> -> memref<16xi32, #tpu.memory_space<vmem>>
    %dma_wait3A_220 = arith.constant 0 : i32
    %dma_wait3A_221 = arith.constant 0 : i32
    %dma_wait3A_222 = tpu.memref_slice %arg2[%dma_wait3A_220, %dma_wait3A_221] : memref<4096x512xf32, #tpu.memory_space<hbm>> -> memref<4096x512xf32, #tpu.memory_space<hbm>>
    tpu.wait_indirect_dma semaphore(%arg12 : memref<!tpu.dma_semaphore, #tpu.memory_space<semaphore_mem>>) src(%dma_wait3A_222 : memref<4096x512xf32, #tpu.memory_space<hbm>>) dst(%dma_wait3A_217 : memref<16x512xf32, #tpu.memory_space<vmem>>)
    %scan3A_223 = arith.constant 0 : i32
    %scan3A_224 = arith.constant 0 : i32
    %scan3A_225 = arith.constant 16 : i32
    %scan3A_226 = arith.addi %scan3A_224, %scan3A_225 : i32
    %scan3A_227 = arith.constant 1 : i32
    %scan3A_228 = scf.for %scan3A_245 = %scan3A_224 to %scan3A_226 step %scan3A_227 iter_args(%scan3A_246 = %scan3A_223) -> (i32)  : i32 {
      %get3A_247 = arith.index_cast %scan3A_245 : i32 to index
      %get3A_248 = tpu.vector_load %arg10[%get3A_247] {strides = array<i32>} : memref<96xf32, #tpu.memory_space<vmem>>, vector<16xf32>,
      %get3A_249 = vector.shape_cast %get3A_248 : vector<16xf32> to vector<16xf32>
      %slice3A = vector.extract_strided_slice %get3A_249 {offsets = [0], sizes = [1], strides = [1]} : vector<16xf32> to vector<1xf32>
      %squeeze3A = vector.extract %slice3A[0] : f32 from vector<1xf32>
      %eq3A = arith.constant 0.000000e+00 : f32
      %eq3A_250 = arith.cmpf oeq, %squeeze3A, %eq3A : f32
      %convert_element_type3A_251 = arith.extui %eq3A_250 : i1 to i32
      %cond3A = arith.constant 0 : i32
      %cond3A_252 = arith.cmpi ne, %convert_element_type3A_251, %cond3A : i32
      scf.if %cond3A_252 {
        %swap3A_254 = arith.index_cast %scan3A_245 : i32 to index
        %swap3A_255 = arith.constant 0 : index
        %swap3A_256 = tpu.vector_load %arg11[%swap3A_254, %swap3A_255] {strides = array<i32>} : memref<80x512xf32, #tpu.memory_space<vmem>>, vector<1x16xf32>,
        %swap3A_257 = vector.shape_cast %swap3A_256 : vector<1x16xf32> to vector<16xf32>
        %swap3A_258 = vector.shape_cast %broadcast_in_dim3A_215 : vector<16xf32> to vector<1x16xf32>
        tpu.vector_store %arg11[%swap3A_254, %swap3A_255], %swap3A_258 {strides = array<i32>} : memref<80x512xf32, #tpu.memory_space<vmem>>, vector<1x16xf32>,
        %swap3A_259 = arith.index_cast %scan3A_245 : i32 to index
        %swap3A_260 = arith.constant 16 : index
        %swap3A_261 = tpu.vector_load %arg11[%swap3A_259, %swap3A_260] {strides = array<i32>} : memref<80x512xf32, #tpu.memory_space<vmem>>, vector<1x16xf32>,
        %swap3A_262 = vector.shape_cast %swap3A_261 : vector<1x16xf32> to vector<16xf32>
        %swap3A_263 = vector.shape_cast %broadcast_in_dim3A_215 : vector<16xf32> to vector<1x16xf32>
        tpu.vector_store %arg11[%swap3A_259, %swap3A_260], %swap3A_263 {strides = array<i32>} : memref<80x512xf32, #tpu.memory_space<vmem>>, vector<1x16xf32>,
        %swap3A_264 = arith.index_cast %scan3A_245 : i32 to index
        %swap3A_265 = arith.constant 32 : index
        %swap3A_266 = tpu.vector_load %arg11[%swap3A_264, %swap3A_265] {strides = array<i32>} : memref<80x512xf32, #tpu.memory_space<vmem>>, vector<1x16xf32>,
        %swap3A_267 = vector.shape_cast %swap3A_266 : vector<1x16xf32> to vector<16xf32>
        %swap3A_268 = vector.shape_cast %broadcast_in_dim3A_215 : vector<16xf32> to vector<1x16xf32>
        tpu.vector_store %arg11[%swap3A_264, %swap3A_265], %swap3A_268 {strides = array<i32>} : memref<80x512xf32, #tpu.memory_space<vmem>>, vector<1x16xf32>,
        %swap3A_269 = arith.index_cast %scan3A_245 : i32 to index
        %swap3A_270 = arith.constant 48 : index
        %swap3A_271 = tpu.vector_load %arg11[%swap3A_269, %swap3A_270] {strides = array<i32>} : memref<80x512xf32, #tpu.memory_space<vmem>>, vector<1x16xf32>,
        %swap3A_272 = vector.shape_cast %swap3A_271 : vector<1x16xf32> to vector<16xf32>
        %swap3A_273 = vector.shape_cast %broadcast_in_dim3A_215 : vector<16xf32> to vector<1x16xf32>
        tpu.vector_store %arg11[%swap3A_269, %swap3A_270], %swap3A_273 {strides = array<i32>} : memref<80x512xf32, #tpu.memory_space<vmem>>, vector<1x16xf32>,
        %swap3A_274 = arith.index_cast %scan3A_245 : i32 to index
        %swap3A_275 = arith.constant 64 : index
        %swap3A_276 = tpu.vector_load %arg11[%swap3A_274, %swap3A_275] {strides = array<i32>} : memref<80x512xf32, #tpu.memory_space<vmem>>, vector<1x16xf32>,
        %swap3A_277 = vector.shape_cast %swap3A_276 : vector<1x16xf32> to vector<16xf32>
        %swap3A_278 = vector.shape_cast %broadcast_in_dim3A_215 : vector<16xf32> to vector<1x16xf32>
        tpu.vector_store %arg11[%swap3A_274, %swap3A_275], %swap3A_278 {strides = array<i32>} : memref<80x512xf32, #tpu.memory_space<vmem>>, vector<1x16xf32>,
        %swap3A_279 = arith.index_cast %scan3A_245 : i32 to index
        %swap3A_280 = arith.constant 80 : index
        %swap3A_281 = tpu.vector_load %arg11[%swap3A_279, %swap3A_280] {strides = array<i32>} : memref<80x512xf32, #tpu.memory_space<vmem>>, vector<1x16xf32>,
        %swap3A_282 = vector.shape_cast %swap3A_281 : vector<1x16xf32> to vector<16xf32>
        %swap3A_283 = vector.shape_cast %broadcast_in_dim3A_215 : vector<16xf32> to vector<1x16xf32>
        tpu.vector_store %arg11[%swap3A_279, %swap3A_280], %swap3A_283 {strides = array<i32>} : memref<80x512xf32, #tpu.memory_space<vmem>>, vector<1x16xf32>,
        %swap3A_284 = arith.index_cast %scan3A_245 : i32 to index
        %swap3A_285 = arith.constant 96 : index
        %swap3A_286 = tpu.vector_load %arg11[%swap3A_284, %swap3A_285] {strides = array<i32>} : memref<80x512xf32, #tpu.memory_space<vmem>>, vector<1x16xf32>,
        %swap3A_287 = vector.shape_cast %swap3A_286 : vector<1x16xf32> to vector<16xf32>
        %swap3A_288 = vector.shape_cast %broadcast_in_dim3A_215 : vector<16xf32> to vector<1x16xf32>
        tpu.vector_store %arg11[%swap3A_284, %swap3A_285], %swap3A_288 {strides = array<i32>} : memref<80x512xf32, #tpu.memory_space<vmem>>, vector<1x16xf32>,
        %swap3A_289 = arith.index_cast %scan3A_245 : i32 to index
        %swap3A_290 = arith.constant 112 : index
        %swap3A_291 = tpu.vector_load %arg11[%swap3A_289, %swap3A_290] {strides = array<i32>} : memref<80x512xf32, #tpu.memory_space<vmem>>, vector<1x16xf32>,
        %swap3A_292 = vector.shape_cast %swap3A_291 : vector<1x16xf32> to vector<16xf32>
        %swap3A_293 = vector.shape_cast %broadcast_in_dim3A_215 : vector<16xf32> to vector<1x16xf32>
        tpu.vector_store %arg11[%swap3A_289, %swap3A_290], %swap3A_293 {strides = array<i32>} : memref<80x512xf32, #tpu.memory_space<vmem>>, vector<1x16xf32>,
        %swap3A_294 = arith.index_cast %scan3A_245 : i32 to index
        %swap3A_295 = arith.constant 128 : index
        %swap3A_296 = tpu.vector_load %arg11[%swap3A_294, %swap3A_295] {strides = array<i32>} : memref<80x512xf32, #tpu.memory_space<vmem>>, vector<1x16xf32>,
        %swap3A_297 = vector.shape_cast %swap3A_296 : vector<1x16xf32> to vector<16xf32>
        %swap3A_298 = vector.shape_cast %broadcast_in_dim3A_215 : vector<16xf32> to vector<1x16xf32>
        tpu.vector_store %arg11[%swap3A_294, %swap3A_295], %swap3A_298 {strides = array<i32>} : memref<80x512xf32, #tpu.memory_space<vmem>>, vector<1x16xf32>,
        %swap3A_299 = arith.index_cast %scan3A_245 : i32 to index
        %swap3A_300 = arith.constant 144 : index
        %swap3A_301 = tpu.vector_load %arg11[%swap3A_299, %swap3A_300] {strides = array<i32>} : memref<80x512xf32, #tpu.memory_space<vmem>>, vector<1x16xf32>,
        %swap3A_302 = vector.shape_cast %swap3A_301 : vector<1x16xf32> to vector<16xf32>
        %swap3A_303 = vector.shape_cast %broadcast_in_dim3A_215 : vector<16xf32> to vector<1x16xf32>
        tpu.vector_store %arg11[%swap3A_299, %swap3A_300], %swap3A_303 {strides = array<i32>} : memref<80x512xf32, #tpu.memory_space<vmem>>, vector<1x16xf32>,
        %swap3A_304 = arith.index_cast %scan3A_245 : i32 to index
        %swap3A_305 = arith.constant 160 : index
        %swap3A_306 = tpu.vector_load %arg11[%swap3A_304, %swap3A_305] {strides = array<i32>} : memref<80x512xf32, #tpu.memory_space<vmem>>, vector<1x16xf32>,
        %swap3A_307 = vector.shape_cast %swap3A_306 : vector<1x16xf32> to vector<16xf32>
        %swap3A_308 = vector.shape_cast %broadcast_in_dim3A_215 : vector<16xf32> to vector<1x16xf32>
        tpu.vector_store %arg11[%swap3A_304, %swap3A_305], %swap3A_308 {strides = array<i32>} : memref<80x512xf32, #tpu.memory_space<vmem>>, vector<1x16xf32>,
        %swap3A_309 = arith.index_cast %scan3A_245 : i32 to index
        %swap3A_310 = arith.constant 176 : index
        %swap3A_311 = tpu.vector_load %arg11[%swap3A_309, %swap3A_310] {strides = array<i32>} : memref<80x512xf32, #tpu.memory_space<vmem>>, vector<1x16xf32>,
        %swap3A_312 = vector.shape_cast %swap3A_311 : vector<1x16xf32> to vector<16xf32>
        %swap3A_313 = vector.shape_cast %broadcast_in_dim3A_215 : vector<16xf32> to vector<1x16xf32>
        tpu.vector_store %arg11[%swap3A_309, %swap3A_310], %swap3A_313 {strides = array<i32>} : memref<80x512xf32, #tpu.memory_space<vmem>>, vector<1x16xf32>,
        %swap3A_314 = arith.index_cast %scan3A_245 : i32 to index
        %swap3A_315 = arith.constant 192 : index
        %swap3A_316 = tpu.vector_load %arg11[%swap3A_314, %swap3A_315] {strides = array<i32>} : memref<80x512xf32, #tpu.memory_space<vmem>>, vector<1x16xf32>,
        %swap3A_317 = vector.shape_cast %swap3A_316 : vector<1x16xf32> to vector<16xf32>
        %swap3A_318 = vector.shape_cast %broadcast_in_dim3A_215 : vector<16xf32> to vector<1x16xf32>
        tpu.vector_store %arg11[%swap3A_314, %swap3A_315], %swap3A_318 {strides = array<i32>} : memref<80x512xf32, #tpu.memory_space<vmem>>, vector<1x16xf32>,
        %swap3A_319 = arith.index_cast %scan3A_245 : i32 to index
        %swap3A_320 = arith.constant 208 : index
        %swap3A_321 = tpu.vector_load %arg11[%swap3A_319, %swap3A_320] {strides = array<i32>} : memref<80x512xf32, #tpu.memory_space<vmem>>, vector<1x16xf32>,
        %swap3A_322 = vector.shape_cast %swap3A_321 : vector<1x16xf32> to vector<16xf32>
        %swap3A_323 = vector.shape_cast %broadcast_in_dim3A_215 : vector<16xf32> to vector<1x16xf32>
        tpu.vector_store %arg11[%swap3A_319, %swap3A_320], %swap3A_323 {strides = array<i32>} : memref<80x512xf32, #tpu.memory_space<vmem>>, vector<1x16xf32>,
        %swap3A_324 = arith.index_cast %scan3A_245 : i32 to index
        %swap3A_325 = arith.constant 224 : index
        %swap3A_326 = tpu.vector_load %arg11[%swap3A_324, %swap3A_325] {strides = array<i32>} : memref<80x512xf32, #tpu.memory_space<vmem>>, vector<1x16xf32>,
        %swap3A_327 = vector.shape_cast %swap3A_326 : vector<1x16xf32> to vector<16xf32>
        %swap3A_328 = vector.shape_cast %broadcast_in_dim3A_215 : vector<16xf32> to vector<1x16xf32>
        tpu.vector_store %arg11[%swap3A_324, %swap3A_325], %swap3A_328 {strides = array<i32>} : memref<80x512xf32, #tpu.memory_space<vmem>>, vector<1x16xf32>,
        %swap3A_329 = arith.index_cast %scan3A_245 : i32 to index
        %swap3A_330 = arith.constant 240 : index
        %swap3A_331 = tpu.vector_load %arg11[%swap3A_329, %swap3A_330] {strides = array<i32>} : memref<80x512xf32, #tpu.memory_space<vmem>>, vector<1x16xf32>,
        %swap3A_332 = vector.shape_cast %swap3A_331 : vector<1x16xf32> to vector<16xf32>
        %swap3A_333 = vector.shape_cast %broadcast_in_dim3A_215 : vector<16xf32> to vector<1x16xf32>
        tpu.vector_store %arg11[%swap3A_329, %swap3A_330], %swap3A_333 {strides = array<i32>} : memref<80x512xf32, #tpu.memory_space<vmem>>, vector<1x16xf32>,
        %swap3A_334 = arith.index_cast %scan3A_245 : i32 to index
        %swap3A_335 = arith.constant 256 : index
        %swap3A_336 = tpu.vector_load %arg11[%swap3A_334, %swap3A_335] {strides = array<i32>} : memref<80x512xf32, #tpu.memory_space<vmem>>, vector<1x16xf32>,
        %swap3A_337 = vector.shape_cast %swap3A_336 : vector<1x16xf32> to vector<16xf32>
        %swap3A_338 = vector.shape_cast %broadcast_in_dim3A_215 : vector<16xf32> to vector<1x16xf32>
        tpu.vector_store %arg11[%swap3A_334, %swap3A_335], %swap3A_338 {strides = array<i32>} : memref<80x512xf32, #tpu.memory_space<vmem>>, vector<1x16xf32>,
        %swap3A_339 = arith.index_cast %scan3A_245 : i32 to index
        %swap3A_340 = arith.constant 272 : index
        %swap3A_341 = tpu.vector_load %arg11[%swap3A_339, %swap3A_340] {strides = array<i32>} : memref<80x512xf32, #tpu.memory_space<vmem>>, vector<1x16xf32>,
        %swap3A_342 = vector.shape_cast %swap3A_341 : vector<1x16xf32> to vector<16xf32>
        %swap3A_343 = vector.shape_cast %broadcast_in_dim3A_215 : vector<16xf32> to vector<1x16xf32>
        tpu.vector_store %arg11[%swap3A_339, %swap3A_340], %swap3A_343 {strides = array<i32>} : memref<80x512xf32, #tpu.memory_space<vmem>>, vector<1x16xf32>,
        %swap3A_344 = arith.index_cast %scan3A_245 : i32 to index
        %swap3A_345 = arith.constant 288 : index
        %swap3A_346 = tpu.vector_load %arg11[%swap3A_344, %swap3A_345] {strides = array<i32>} : memref<80x512xf32, #tpu.memory_space<vmem>>, vector<1x16xf32>,
        %swap3A_347 = vector.shape_cast %swap3A_346 : vector<1x16xf32> to vector<16xf32>
        %swap3A_348 = vector.shape_cast %broadcast_in_dim3A_215 : vector<16xf32> to vector<1x16xf32>
        tpu.vector_store %arg11[%swap3A_344, %swap3A_345], %swap3A_348 {strides = array<i32>} : memref<80x512xf32, #tpu.memory_space<vmem>>, vector<1x16xf32>,
        %swap3A_349 = arith.index_cast %scan3A_245 : i32 to index
        %swap3A_350 = arith.constant 304 : index
        %swap3A_351 = tpu.vector_load %arg11[%swap3A_349, %swap3A_350] {strides = array<i32>} : memref<80x512xf32, #tpu.memory_space<vmem>>, vector<1x16xf32>,
        %swap3A_352 = vector.shape_cast %swap3A_351 : vector<1x16xf32> to vector<16xf32>
        %swap3A_353 = vector.shape_cast %broadcast_in_dim3A_215 : vector<16xf32> to vector<1x16xf32>
        tpu.vector_store %arg11[%swap3A_349, %swap3A_350], %swap3A_353 {strides = array<i32>} : memref<80x512xf32, #tpu.memory_space<vmem>>, vector<1x16xf32>,
        %swap3A_354 = arith.index_cast %scan3A_245 : i32 to index
        %swap3A_355 = arith.constant 320 : index
        %swap3A_356 = tpu.vector_load %arg11[%swap3A_354, %swap3A_355] {strides = array<i32>} : memref<80x512xf32, #tpu.memory_space<vmem>>, vector<1x16xf32>,
        %swap3A_357 = vector.shape_cast %swap3A_356 : vector<1x16xf32> to vector<16xf32>
        %swap3A_358 = vector.shape_cast %broadcast_in_dim3A_215 : vector<16xf32> to vector<1x16xf32>
        tpu.vector_store %arg11[%swap3A_354, %swap3A_355], %swap3A_358 {strides = array<i32>} : memref<80x512xf32, #tpu.memory_space<vmem>>, vector<1x16xf32>,
        %swap3A_359 = arith.index_cast %scan3A_245 : i32 to index
        %swap3A_360 = arith.constant 336 : index
        %swap3A_361 = tpu.vector_load %arg11[%swap3A_359, %swap3A_360] {strides = array<i32>} : memref<80x512xf32, #tpu.memory_space<vmem>>, vector<1x16xf32>,
        %swap3A_362 = vector.shape_cast %swap3A_361 : vector<1x16xf32> to vector<16xf32>
        %swap3A_363 = vector.shape_cast %broadcast_in_dim3A_215 : vector<16xf32> to vector<1x16xf32>
        tpu.vector_store %arg11[%swap3A_359, %swap3A_360], %swap3A_363 {strides = array<i32>} : memref<80x512xf32, #tpu.memory_space<vmem>>, vector<1x16xf32>,
        %swap3A_364 = arith.index_cast %scan3A_245 : i32 to index
        %swap3A_365 = arith.constant 352 : index
        %swap3A_366 = tpu.vector_load %arg11[%swap3A_364, %swap3A_365] {strides = array<i32>} : memref<80x512xf32, #tpu.memory_space<vmem>>, vector<1x16xf32>,
        %swap3A_367 = vector.shape_cast %swap3A_366 : vector<1x16xf32> to vector<16xf32>
        %swap3A_368 = vector.shape_cast %broadcast_in_dim3A_215 : vector<16xf32> to vector<1x16xf32>
        tpu.vector_store %arg11[%swap3A_364, %swap3A_365], %swap3A_368 {strides = array<i32>} : memref<80x512xf32, #tpu.memory_space<vmem>>, vector<1x16xf32>,
        %swap3A_369 = arith.index_cast %scan3A_245 : i32 to index
        %swap3A_370 = arith.constant 368 : index
        %swap3A_371 = tpu.vector_load %arg11[%swap3A_369, %swap3A_370] {strides = array<i32>} : memref<80x512xf32, #tpu.memory_space<vmem>>, vector<1x16xf32>,
        %swap3A_372 = vector.shape_cast %swap3A_371 : vector<1x16xf32> to vector<16xf32>
        %swap3A_373 = vector.shape_cast %broadcast_in_dim3A_215 : vector<16xf32> to vector<1x16xf32>
        tpu.vector_store %arg11[%swap3A_369, %swap3A_370], %swap3A_373 {strides = array<i32>} : memref<80x512xf32, #tpu.memory_space<vmem>>, vector<1x16xf32>,
        %swap3A_374 = arith.index_cast %scan3A_245 : i32 to index
        %swap3A_375 = arith.constant 384 : index
        %swap3A_376 = tpu.vector_load %arg11[%swap3A_374, %swap3A_375] {strides = array<i32>} : memref<80x512xf32, #tpu.memory_space<vmem>>, vector<1x16xf32>,
        %swap3A_377 = vector.shape_cast %swap3A_376 : vector<1x16xf32> to vector<16xf32>
        %swap3A_378 = vector.shape_cast %broadcast_in_dim3A_215 : vector<16xf32> to vector<1x16xf32>
        tpu.vector_store %arg11[%swap3A_374, %swap3A_375], %swap3A_378 {strides = array<i32>} : memref<80x512xf32, #tpu.memory_space<vmem>>, vector<1x16xf32>,
        %swap3A_379 = arith.index_cast %scan3A_245 : i32 to index
        %swap3A_380 = arith.constant 400 : index
        %swap3A_381 = tpu.vector_load %arg11[%swap3A_379, %swap3A_380] {strides = array<i32>} : memref<80x512xf32, #tpu.memory_space<vmem>>, vector<1x16xf32>,
        %swap3A_382 = vector.shape_cast %swap3A_381 : vector<1x16xf32> to vector<16xf32>
        %swap3A_383 = vector.shape_cast %broadcast_in_dim3A_215 : vector<16xf32> to vector<1x16xf32>
        tpu.vector_store %arg11[%swap3A_379, %swap3A_380], %swap3A_383 {strides = array<i32>} : memref<80x512xf32, #tpu.memory_space<vmem>>, vector<1x16xf32>,
        %swap3A_384 = arith.index_cast %scan3A_245 : i32 to index
        %swap3A_385 = arith.constant 416 : index
        %swap3A_386 = tpu.vector_load %arg11[%swap3A_384, %swap3A_385] {strides = array<i32>} : memref<80x512xf32, #tpu.memory_space<vmem>>, vector<1x16xf32>,
        %swap3A_387 = vector.shape_cast %swap3A_386 : vector<1x16xf32> to vector<16xf32>
        %swap3A_388 = vector.shape_cast %broadcast_in_dim3A_215 : vector<16xf32> to vector<1x16xf32>
        tpu.vector_store %arg11[%swap3A_384, %swap3A_385], %swap3A_388 {strides = array<i32>} : memref<80x512xf32, #tpu.memory_space<vmem>>, vector<1x16xf32>,
        %swap3A_389 = arith.index_cast %scan3A_245 : i32 to index
        %swap3A_390 = arith.constant 432 : index
        %swap3A_391 = tpu.vector_load %arg11[%swap3A_389, %swap3A_390] {strides = array<i32>} : memref<80x512xf32, #tpu.memory_space<vmem>>, vector<1x16xf32>,
        %swap3A_392 = vector.shape_cast %swap3A_391 : vector<1x16xf32> to vector<16xf32>
        %swap3A_393 = vector.shape_cast %broadcast_in_dim3A_215 : vector<16xf32> to vector<1x16xf32>
        tpu.vector_store %arg11[%swap3A_389, %swap3A_390], %swap3A_393 {strides = array<i32>} : memref<80x512xf32, #tpu.memory_space<vmem>>, vector<1x16xf32>,
        %swap3A_394 = arith.index_cast %scan3A_245 : i32 to index
        %swap3A_395 = arith.constant 448 : index
        %swap3A_396 = tpu.vector_load %arg11[%swap3A_394, %swap3A_395] {strides = array<i32>} : memref<80x512xf32, #tpu.memory_space<vmem>>, vector<1x16xf32>,
        %swap3A_397 = vector.shape_cast %swap3A_396 : vector<1x16xf32> to vector<16xf32>
        %swap3A_398 = vector.shape_cast %broadcast_in_dim3A_215 : vector<16xf32> to vector<1x16xf32>
        tpu.vector_store %arg11[%swap3A_394, %swap3A_395], %swap3A_398 {strides = array<i32>} : memref<80x512xf32, #tpu.memory_space<vmem>>, vector<1x16xf32>,
        %swap3A_399 = arith.index_cast %scan3A_245 : i32 to index
        %swap3A_400 = arith.constant 464 : index
        %swap3A_401 = tpu.vector_load %arg11[%swap3A_399, %swap3A_400] {strides = array<i32>} : memref<80x512xf32, #tpu.memory_space<vmem>>, vector<1x16xf32>,
        %swap3A_402 = vector.shape_cast %swap3A_401 : vector<1x16xf32> to vector<16xf32>
        %swap3A_403 = vector.shape_cast %broadcast_in_dim3A_215 : vector<16xf32> to vector<1x16xf32>
        tpu.vector_store %arg11[%swap3A_399, %swap3A_400], %swap3A_403 {strides = array<i32>} : memref<80x512xf32, #tpu.memory_space<vmem>>, vector<1x16xf32>,
        %swap3A_404 = arith.index_cast %scan3A_245 : i32 to index
        %swap3A_405 = arith.constant 480 : index
        %swap3A_406 = tpu.vector_load %arg11[%swap3A_404, %swap3A_405] {strides = array<i32>} : memref<80x512xf32, #tpu.memory_space<vmem>>, vector<1x16xf32>,
        %swap3A_407 = vector.shape_cast %swap3A_406 : vector<1x16xf32> to vector<16xf32>
        %swap3A_408 = vector.shape_cast %broadcast_in_dim3A_215 : vector<16xf32> to vector<1x16xf32>
        tpu.vector_store %arg11[%swap3A_404, %swap3A_405], %swap3A_408 {strides = array<i32>} : memref<80x512xf32, #tpu.memory_space<vmem>>, vector<1x16xf32>,
        %swap3A_409 = arith.index_cast %scan3A_245 : i32 to index
        %swap3A_410 = arith.constant 496 : index
        %swap3A_411 = tpu.vector_load %arg11[%swap3A_409, %swap3A_410] {strides = array<i32>} : memref<80x512xf32, #tpu.memory_space<vmem>>, vector<1x16xf32>,
        %swap3A_412 = vector.shape_cast %swap3A_411 : vector<1x16xf32> to vector<16xf32>
        %swap3A_413 = vector.shape_cast %broadcast_in_dim3A_215 : vector<16xf32> to vector<1x16xf32>
        tpu.vector_store %arg11[%swap3A_409, %swap3A_410], %swap3A_413 {strides = array<i32>} : memref<80x512xf32, #tpu.memory_space<vmem>>, vector<1x16xf32>,
      } else {
      }
      %scan3A_253 = arith.constant 0 : i32
      scf.yield %scan3A_253 : i32
    }
    %scan3A_229 = arith.constant 16 : i32
    "tpu.region"() ({
      %run_scoped3A = tpu.sem_alloc : memref<!tpu.dma_semaphore, #tpu.memory_space<semaphore_mem>>
      %dma_start3A_245 = arith.constant 0 : i32
      %dma_start3A_246 = arith.constant 0 : i32
      %dma_start3A_247 = tpu.memref_slice %arg11[%dma_start3A_245, %dma_start3A_246] : memref<80x512xf32, #tpu.memory_space<vmem>> -> memref<16x512xf32, #tpu.memory_space<vmem>>
      %dma_start3A_248 = arith.constant 0 : i32
      %dma_start3A_249 = arith.constant 0 : i32
      %dma_start3A_250 = tpu.memref_slice %arg4[%add3A, %dma_start3A_248, %dma_start3A_249] : memref<32x16x512xf32, #tpu.memory_space<hbm>> -> memref<1x16x512xf32, #tpu.memory_space<hbm>>
      %dma_start3A_251 = tpu.memref_squeeze %dma_start3A_250 : memref<1x16x512xf32, #tpu.memory_space<hbm>> -> memref<16x512xf32, #tpu.memory_space<hbm>>
      %dma_start3A_252 = arith.constant 0 : i32
      %dma_start3A_253 = arith.constant 0 : i32
      %dma_start3A_254 = tpu.memref_slice %arg4[%add3A, %dma_start3A_252, %dma_start3A_253] : memref<32x16x512xf32, #tpu.memory_space<hbm>> -> memref<1x16x512xf32, #tpu.memory_space<hbm>>
      %dma_start3A_255 = tpu.memref_squeeze %dma_start3A_254 : memref<1x16x512xf32, #tpu.memory_space<hbm>> -> memref<16x512xf32, #tpu.memory_space<hbm>>
      %dma_start3A_256 = arith.constant 0 : i32
      %dma_start3A_257 = arith.constant 0 : i32
      %dma_start3A_258 = tpu.memref_slice %arg11[%dma_start3A_256, %dma_start3A_257] : memref<80x512xf32, #tpu.memory_space<vmem>> -> memref<16x512xf32, #tpu.memory_space<vmem>>
      tpu.enqueue_dma source(%dma_start3A_258 : memref<16x512xf32, #tpu.memory_space<vmem>>) target(%dma_start3A_255 : memref<16x512xf32, #tpu.memory_space<hbm>>) target_semaphore(%run_scoped3A : memref<!tpu.dma_semaphore, #tpu.memory_space<semaphore_mem>>)
      %dma_wait3A_259 = arith.constant 0 : i32
      %dma_wait3A_260 = arith.constant 0 : i32
      %dma_wait3A_261 = tpu.memref_slice %arg11[%dma_wait3A_259, %dma_wait3A_260] : memref<80x512xf32, #tpu.memory_space<vmem>> -> memref<16x512xf32, #tpu.memory_space<vmem>>
      %dma_wait3A_262 = arith.constant 0 : i32
      %dma_wait3A_263 = arith.constant 0 : i32
      %dma_wait3A_264 = tpu.memref_slice %arg4[%add3A, %dma_wait3A_262, %dma_wait3A_263] : memref<32x16x512xf32, #tpu.memory_space<hbm>> -> memref<1x16x512xf32, #tpu.memory_space<hbm>>
      %dma_wait3A_265 = tpu.memref_squeeze %dma_wait3A_264 : memref<1x16x512xf32, #tpu.memory_space<hbm>> -> memref<16x512xf32, #tpu.memory_space<hbm>>
      %dma_wait3A_266 = arith.constant 0 : i32
      %dma_wait3A_267 = arith.constant 0 : i32
      %dma_wait3A_268 = tpu.memref_slice %arg4[%add3A, %dma_wait3A_266, %dma_wait3A_267] : memref<32x16x512xf32, #tpu.memory_space<hbm>> -> memref<1x16x512xf32, #tpu.memory_space<hbm>>
      %dma_wait3A_269 = tpu.memref_squeeze %dma_wait3A_268 : memref<1x16x512xf32, #tpu.memory_space<hbm>> -> memref<16x512xf32, #tpu.memory_space<hbm>>
      %dma_wait3A_270 = arith.constant 0 : i32
      %dma_wait3A_271 = arith.constant 0 : i32
      %dma_wait3A_272 = tpu.memref_slice %arg11[%dma_wait3A_270, %dma_wait3A_271] : memref<80x512xf32, #tpu.memory_space<vmem>> -> memref<16x512xf32, #tpu.memory_space<vmem>>
      tpu.wait_dma2 semaphore(%run_scoped3A : memref<!tpu.dma_semaphore, #tpu.memory_space<semaphore_mem>>) src(%dma_wait3A_272 : memref<16x512xf32, #tpu.memory_space<vmem>>) dst(%dma_wait3A_269 : memref<16x512xf32, #tpu.memory_space<hbm>>)
      tpu.yield
    }) : () -> ()
    %dma_wait3A_230 = arith.constant 16 : i32
    %dma_wait3A_231 = arith.constant 0 : i32
    %dma_wait3A_232 = tpu.memref_slice %arg11[%dma_wait3A_230, %dma_wait3A_231] : memref<80x512xf32, #tpu.memory_space<vmem>> -> memref<64x512xf32, #tpu.memory_space<vmem>>
    %dma_wait3A_233 = arith.constant 16 : i32
    %dma_wait3A_234 = tpu.memref_slice %arg9[%dma_wait3A_233] : memref<80xi32, #tpu.memory_space<vmem>> -> memref<64xi32, #tpu.memory_space<vmem>>
    %dma_wait3A_235 = arith.constant 0 : i32
    %dma_wait3A_236 = arith.constant 0 : i32
    %dma_wait3A_237 = tpu.memref_slice %arg2[%dma_wait3A_235, %dma_wait3A_236] : memref<4096x512xf32, #tpu.memory_space<hbm>> -> memref<4096x512xf32, #tpu.memory_space<hbm>>
    tpu.wait_indirect_dma semaphore(%arg13 : memref<!tpu.dma_semaphore, #tpu.memory_space<semaphore_mem>>) src(%dma_wait3A_237 : memref<4096x512xf32, #tpu.memory_space<hbm>>) dst(%dma_wait3A_232 : memref<64x512xf32, #tpu.memory_space<vmem>>)
    %scan3A_238 = arith.constant 0 : i32
    %scan3A_239 = arith.constant 16 : i32
    %scan3A_240 = arith.constant 64 : i32
    %scan3A_241 = arith.addi %scan3A_239, %scan3A_240 : i32
    %scan3A_242 = arith.constant 1 : i32
    %scan3A_243 = scf.for %scan3A_245 = %scan3A_239 to %scan3A_241 step %scan3A_242 iter_args(%scan3A_246 = %scan3A_238) -> (i32)  : i32 {
      %get3A_247 = arith.index_cast %scan3A_245 : i32 to index
      %get3A_248 = tpu.vector_load %arg10[%get3A_247] {strides = array<i32>} : memref<96xf32, #tpu.memory_space<vmem>>, vector<16xf32>,
      %get3A_249 = vector.shape_cast %get3A_248 : vector<16xf32> to vector<16xf32>
      %slice3A = vector.extract_strided_slice %get3A_249 {offsets = [0], sizes = [1], strides = [1]} : vector<16xf32> to vector<1xf32>
      %squeeze3A = vector.extract %slice3A[0] : f32 from vector<1xf32>
      %eq3A = arith.constant 0.000000e+00 : f32
      %eq3A_250 = arith.cmpf oeq, %squeeze3A, %eq3A : f32
      %convert_element_type3A_251 = arith.extui %eq3A_250 : i1 to i32
      %cond3A = arith.constant 0 : i32
      %cond3A_252 = arith.cmpi ne, %convert_element_type3A_251, %cond3A : i32
      scf.if %cond3A_252 {
        %swap3A_254 = arith.index_cast %scan3A_245 : i32 to index
        %swap3A_255 = arith.constant 0 : index
        %swap3A_256 = tpu.vector_load %arg11[%swap3A_254, %swap3A_255] {strides = array<i32>} : memref<80x512xf32, #tpu.memory_space<vmem>>, vector<1x16xf32>,
        %swap3A_257 = vector.shape_cast %swap3A_256 : vector<1x16xf32> to vector<16xf32>
        %swap3A_258 = vector.shape_cast %broadcast_in_dim3A_215 : vector<16xf32> to vector<1x16xf32>
        tpu.vector_store %arg11[%swap3A_254, %swap3A_255], %swap3A_258 {strides = array<i32>} : memref<80x512xf32, #tpu.memory_space<vmem>>, vector<1x16xf32>,
        %swap3A_259 = arith.index_cast %scan3A_245 : i32 to index
        %swap3A_260 = arith.constant 16 : index
        %swap3A_261 = tpu.vector_load %arg11[%swap3A_259, %swap3A_260] {strides = array<i32>} : memref<80x512xf32, #tpu.memory_space<vmem>>, vector<1x16xf32>,
        %swap3A_262 = vector.shape_cast %swap3A_261 : vector<1x16xf32> to vector<16xf32>
        %swap3A_263 = vector.shape_cast %broadcast_in_dim3A_215 : vector<16xf32> to vector<1x16xf32>
        tpu.vector_store %arg11[%swap3A_259, %swap3A_260], %swap3A_263 {strides = array<i32>} : memref<80x512xf32, #tpu.memory_space<vmem>>, vector<1x16xf32>,
        %swap3A_264 = arith.index_cast %scan3A_245 : i32 to index
        %swap3A_265 = arith.constant 32 : index
        %swap3A_266 = tpu.vector_load %arg11[%swap3A_264, %swap3A_265] {strides = array<i32>} : memref<80x512xf32, #tpu.memory_space<vmem>>, vector<1x16xf32>,
        %swap3A_267 = vector.shape_cast %swap3A_266 : vector<1x16xf32> to vector<16xf32>
        %swap3A_268 = vector.shape_cast %broadcast_in_dim3A_215 : vector<16xf32> to vector<1x16xf32>
        tpu.vector_store %arg11[%swap3A_264, %swap3A_265], %swap3A_268 {strides = array<i32>} : memref<80x512xf32, #tpu.memory_space<vmem>>, vector<1x16xf32>,
        %swap3A_269 = arith.index_cast %scan3A_245 : i32 to index
        %swap3A_270 = arith.constant 48 : index
        %swap3A_271 = tpu.vector_load %arg11[%swap3A_269, %swap3A_270] {strides = array<i32>} : memref<80x512xf32, #tpu.memory_space<vmem>>, vector<1x16xf32>,
        %swap3A_272 = vector.shape_cast %swap3A_271 : vector<1x16xf32> to vector<16xf32>
        %swap3A_273 = vector.shape_cast %broadcast_in_dim3A_215 : vector<16xf32> to vector<1x16xf32>
        tpu.vector_store %arg11[%swap3A_269, %swap3A_270], %swap3A_273 {strides = array<i32>} : memref<80x512xf32, #tpu.memory_space<vmem>>, vector<1x16xf32>,
        %swap3A_274 = arith.index_cast %scan3A_245 : i32 to index
        %swap3A_275 = arith.constant 64 : index
        %swap3A_276 = tpu.vector_load %arg11[%swap3A_274, %swap3A_275] {strides = array<i32>} : memref<80x512xf32, #tpu.memory_space<vmem>>, vector<1x16xf32>,
        %swap3A_277 = vector.shape_cast %swap3A_276 : vector<1x16xf32> to vector<16xf32>
        %swap3A_278 = vector.shape_cast %broadcast_in_dim3A_215 : vector<16xf32> to vector<1x16xf32>
        tpu.vector_store %arg11[%swap3A_274, %swap3A_275], %swap3A_278 {strides = array<i32>} : memref<80x512xf32, #tpu.memory_space<vmem>>, vector<1x16xf32>,
        %swap3A_279 = arith.index_cast %scan3A_245 : i32 to index
        %swap3A_280 = arith.constant 80 : index
        %swap3A_281 = tpu.vector_load %arg11[%swap3A_279, %swap3A_280] {strides = array<i32>} : memref<80x512xf32, #tpu.memory_space<vmem>>, vector<1x16xf32>,
        %swap3A_282 = vector.shape_cast %swap3A_281 : vector<1x16xf32> to vector<16xf32>
        %swap3A_283 = vector.shape_cast %broadcast_in_dim3A_215 : vector<16xf32> to vector<1x16xf32>
        tpu.vector_store %arg11[%swap3A_279, %swap3A_280], %swap3A_283 {strides = array<i32>} : memref<80x512xf32, #tpu.memory_space<vmem>>, vector<1x16xf32>,
        %swap3A_284 = arith.index_cast %scan3A_245 : i32 to index
        %swap3A_285 = arith.constant 96 : index
        %swap3A_286 = tpu.vector_load %arg11[%swap3A_284, %swap3A_285] {strides = array<i32>} : memref<80x512xf32, #tpu.memory_space<vmem>>, vector<1x16xf32>,
        %swap3A_287 = vector.shape_cast %swap3A_286 : vector<1x16xf32> to vector<16xf32>
        %swap3A_288 = vector.shape_cast %broadcast_in_dim3A_215 : vector<16xf32> to vector<1x16xf32>
        tpu.vector_store %arg11[%swap3A_284, %swap3A_285], %swap3A_288 {strides = array<i32>} : memref<80x512xf32, #tpu.memory_space<vmem>>, vector<1x16xf32>,
        %swap3A_289 = arith.index_cast %scan3A_245 : i32 to index
        %swap3A_290 = arith.constant 112 : index
        %swap3A_291 = tpu.vector_load %arg11[%swap3A_289, %swap3A_290] {strides = array<i32>} : memref<80x512xf32, #tpu.memory_space<vmem>>, vector<1x16xf32>,
        %swap3A_292 = vector.shape_cast %swap3A_291 : vector<1x16xf32> to vector<16xf32>
        %swap3A_293 = vector.shape_cast %broadcast_in_dim3A_215 : vector<16xf32> to vector<1x16xf32>
        tpu.vector_store %arg11[%swap3A_289, %swap3A_290], %swap3A_293 {strides = array<i32>} : memref<80x512xf32, #tpu.memory_space<vmem>>, vector<1x16xf32>,
        %swap3A_294 = arith.index_cast %scan3A_245 : i32 to index
        %swap3A_295 = arith.constant 128 : index
        %swap3A_296 = tpu.vector_load %arg11[%swap3A_294, %swap3A_295] {strides = array<i32>} : memref<80x512xf32, #tpu.memory_space<vmem>>, vector<1x16xf32>,
        %swap3A_297 = vector.shape_cast %swap3A_296 : vector<1x16xf32> to vector<16xf32>
        %swap3A_298 = vector.shape_cast %broadcast_in_dim3A_215 : vector<16xf32> to vector<1x16xf32>
        tpu.vector_store %arg11[%swap3A_294, %swap3A_295], %swap3A_298 {strides = array<i32>} : memref<80x512xf32, #tpu.memory_space<vmem>>, vector<1x16xf32>,
        %swap3A_299 = arith.index_cast %scan3A_245 : i32 to index
        %swap3A_300 = arith.constant 144 : index
        %swap3A_301 = tpu.vector_load %arg11[%swap3A_299, %swap3A_300] {strides = array<i32>} : memref<80x512xf32, #tpu.memory_space<vmem>>, vector<1x16xf32>,
        %swap3A_302 = vector.shape_cast %swap3A_301 : vector<1x16xf32> to vector<16xf32>
        %swap3A_303 = vector.shape_cast %broadcast_in_dim3A_215 : vector<16xf32> to vector<1x16xf32>
        tpu.vector_store %arg11[%swap3A_299, %swap3A_300], %swap3A_303 {strides = array<i32>} : memref<80x512xf32, #tpu.memory_space<vmem>>, vector<1x16xf32>,
        %swap3A_304 = arith.index_cast %scan3A_245 : i32 to index
        %swap3A_305 = arith.constant 160 : index
        %swap3A_306 = tpu.vector_load %arg11[%swap3A_304, %swap3A_305] {strides = array<i32>} : memref<80x512xf32, #tpu.memory_space<vmem>>, vector<1x16xf32>,
        %swap3A_307 = vector.shape_cast %swap3A_306 : vector<1x16xf32> to vector<16xf32>
        %swap3A_308 = vector.shape_cast %broadcast_in_dim3A_215 : vector<16xf32> to vector<1x16xf32>
        tpu.vector_store %arg11[%swap3A_304, %swap3A_305], %swap3A_308 {strides = array<i32>} : memref<80x512xf32, #tpu.memory_space<vmem>>, vector<1x16xf32>,
        %swap3A_309 = arith.index_cast %scan3A_245 : i32 to index
        %swap3A_310 = arith.constant 176 : index
        %swap3A_311 = tpu.vector_load %arg11[%swap3A_309, %swap3A_310] {strides = array<i32>} : memref<80x512xf32, #tpu.memory_space<vmem>>, vector<1x16xf32>,
        %swap3A_312 = vector.shape_cast %swap3A_311 : vector<1x16xf32> to vector<16xf32>
        %swap3A_313 = vector.shape_cast %broadcast_in_dim3A_215 : vector<16xf32> to vector<1x16xf32>
        tpu.vector_store %arg11[%swap3A_309, %swap3A_310], %swap3A_313 {strides = array<i32>} : memref<80x512xf32, #tpu.memory_space<vmem>>, vector<1x16xf32>,
        %swap3A_314 = arith.index_cast %scan3A_245 : i32 to index
        %swap3A_315 = arith.constant 192 : index
        %swap3A_316 = tpu.vector_load %arg11[%swap3A_314, %swap3A_315] {strides = array<i32>} : memref<80x512xf32, #tpu.memory_space<vmem>>, vector<1x16xf32>,
        %swap3A_317 = vector.shape_cast %swap3A_316 : vector<1x16xf32> to vector<16xf32>
        %swap3A_318 = vector.shape_cast %broadcast_in_dim3A_215 : vector<16xf32> to vector<1x16xf32>
        tpu.vector_store %arg11[%swap3A_314, %swap3A_315], %swap3A_318 {strides = array<i32>} : memref<80x512xf32, #tpu.memory_space<vmem>>, vector<1x16xf32>,
        %swap3A_319 = arith.index_cast %scan3A_245 : i32 to index
        %swap3A_320 = arith.constant 208 : index
        %swap3A_321 = tpu.vector_load %arg11[%swap3A_319, %swap3A_320] {strides = array<i32>} : memref<80x512xf32, #tpu.memory_space<vmem>>, vector<1x16xf32>,
        %swap3A_322 = vector.shape_cast %swap3A_321 : vector<1x16xf32> to vector<16xf32>
        %swap3A_323 = vector.shape_cast %broadcast_in_dim3A_215 : vector<16xf32> to vector<1x16xf32>
        tpu.vector_store %arg11[%swap3A_319, %swap3A_320], %swap3A_323 {strides = array<i32>} : memref<80x512xf32, #tpu.memory_space<vmem>>, vector<1x16xf32>,
        %swap3A_324 = arith.index_cast %scan3A_245 : i32 to index
        %swap3A_325 = arith.constant 224 : index
        %swap3A_326 = tpu.vector_load %arg11[%swap3A_324, %swap3A_325] {strides = array<i32>} : memref<80x512xf32, #tpu.memory_space<vmem>>, vector<1x16xf32>,
        %swap3A_327 = vector.shape_cast %swap3A_326 : vector<1x16xf32> to vector<16xf32>
        %swap3A_328 = vector.shape_cast %broadcast_in_dim3A_215 : vector<16xf32> to vector<1x16xf32>
        tpu.vector_store %arg11[%swap3A_324, %swap3A_325], %swap3A_328 {strides = array<i32>} : memref<80x512xf32, #tpu.memory_space<vmem>>, vector<1x16xf32>,
        %swap3A_329 = arith.index_cast %scan3A_245 : i32 to index
        %swap3A_330 = arith.constant 240 : index
        %swap3A_331 = tpu.vector_load %arg11[%swap3A_329, %swap3A_330] {strides = array<i32>} : memref<80x512xf32, #tpu.memory_space<vmem>>, vector<1x16xf32>,
        %swap3A_332 = vector.shape_cast %swap3A_331 : vector<1x16xf32> to vector<16xf32>
        %swap3A_333 = vector.shape_cast %broadcast_in_dim3A_215 : vector<16xf32> to vector<1x16xf32>
        tpu.vector_store %arg11[%swap3A_329, %swap3A_330], %swap3A_333 {strides = array<i32>} : memref<80x512xf32, #tpu.memory_space<vmem>>, vector<1x16xf32>,
        %swap3A_334 = arith.index_cast %scan3A_245 : i32 to index
        %swap3A_335 = arith.constant 256 : index
        %swap3A_336 = tpu.vector_load %arg11[%swap3A_334, %swap3A_335] {strides = array<i32>} : memref<80x512xf32, #tpu.memory_space<vmem>>, vector<1x16xf32>,
        %swap3A_337 = vector.shape_cast %swap3A_336 : vector<1x16xf32> to vector<16xf32>
        %swap3A_338 = vector.shape_cast %broadcast_in_dim3A_215 : vector<16xf32> to vector<1x16xf32>
        tpu.vector_store %arg11[%swap3A_334, %swap3A_335], %swap3A_338 {strides = array<i32>} : memref<80x512xf32, #tpu.memory_space<vmem>>, vector<1x16xf32>,
        %swap3A_339 = arith.index_cast %scan3A_245 : i32 to index
        %swap3A_340 = arith.constant 272 : index
        %swap3A_341 = tpu.vector_load %arg11[%swap3A_339, %swap3A_340] {strides = array<i32>} : memref<80x512xf32, #tpu.memory_space<vmem>>, vector<1x16xf32>,
        %swap3A_342 = vector.shape_cast %swap3A_341 : vector<1x16xf32> to vector<16xf32>
        %swap3A_343 = vector.shape_cast %broadcast_in_dim3A_215 : vector<16xf32> to vector<1x16xf32>
        tpu.vector_store %arg11[%swap3A_339, %swap3A_340], %swap3A_343 {strides = array<i32>} : memref<80x512xf32, #tpu.memory_space<vmem>>, vector<1x16xf32>,
        %swap3A_344 = arith.index_cast %scan3A_245 : i32 to index
        %swap3A_345 = arith.constant 288 : index
        %swap3A_346 = tpu.vector_load %arg11[%swap3A_344, %swap3A_345] {strides = array<i32>} : memref<80x512xf32, #tpu.memory_space<vmem>>, vector<1x16xf32>,
        %swap3A_347 = vector.shape_cast %swap3A_346 : vector<1x16xf32> to vector<16xf32>
        %swap3A_348 = vector.shape_cast %broadcast_in_dim3A_215 : vector<16xf32> to vector<1x16xf32>
        tpu.vector_store %arg11[%swap3A_344, %swap3A_345], %swap3A_348 {strides = array<i32>} : memref<80x512xf32, #tpu.memory_space<vmem>>, vector<1x16xf32>,
        %swap3A_349 = arith.index_cast %scan3A_245 : i32 to index
        %swap3A_350 = arith.constant 304 : index
        %swap3A_351 = tpu.vector_load %arg11[%swap3A_349, %swap3A_350] {strides = array<i32>} : memref<80x512xf32, #tpu.memory_space<vmem>>, vector<1x16xf32>,
        %swap3A_352 = vector.shape_cast %swap3A_351 : vector<1x16xf32> to vector<16xf32>
        %swap3A_353 = vector.shape_cast %broadcast_in_dim3A_215 : vector<16xf32> to vector<1x16xf32>
        tpu.vector_store %arg11[%swap3A_349, %swap3A_350], %swap3A_353 {strides = array<i32>} : memref<80x512xf32, #tpu.memory_space<vmem>>, vector<1x16xf32>,
        %swap3A_354 = arith.index_cast %scan3A_245 : i32 to index
        %swap3A_355 = arith.constant 320 : index
        %swap3A_356 = tpu.vector_load %arg11[%swap3A_354, %swap3A_355] {strides = array<i32>} : memref<80x512xf32, #tpu.memory_space<vmem>>, vector<1x16xf32>,
        %swap3A_357 = vector.shape_cast %swap3A_356 : vector<1x16xf32> to vector<16xf32>
        %swap3A_358 = vector.shape_cast %broadcast_in_dim3A_215 : vector<16xf32> to vector<1x16xf32>
        tpu.vector_store %arg11[%swap3A_354, %swap3A_355], %swap3A_358 {strides = array<i32>} : memref<80x512xf32, #tpu.memory_space<vmem>>, vector<1x16xf32>,
        %swap3A_359 = arith.index_cast %scan3A_245 : i32 to index
        %swap3A_360 = arith.constant 336 : index
        %swap3A_361 = tpu.vector_load %arg11[%swap3A_359, %swap3A_360] {strides = array<i32>} : memref<80x512xf32, #tpu.memory_space<vmem>>, vector<1x16xf32>,
        %swap3A_362 = vector.shape_cast %swap3A_361 : vector<1x16xf32> to vector<16xf32>
        %swap3A_363 = vector.shape_cast %broadcast_in_dim3A_215 : vector<16xf32> to vector<1x16xf32>
        tpu.vector_store %arg11[%swap3A_359, %swap3A_360], %swap3A_363 {strides = array<i32>} : memref<80x512xf32, #tpu.memory_space<vmem>>, vector<1x16xf32>,
        %swap3A_364 = arith.index_cast %scan3A_245 : i32 to index
        %swap3A_365 = arith.constant 352 : index
        %swap3A_366 = tpu.vector_load %arg11[%swap3A_364, %swap3A_365] {strides = array<i32>} : memref<80x512xf32, #tpu.memory_space<vmem>>, vector<1x16xf32>,
        %swap3A_367 = vector.shape_cast %swap3A_366 : vector<1x16xf32> to vector<16xf32>
        %swap3A_368 = vector.shape_cast %broadcast_in_dim3A_215 : vector<16xf32> to vector<1x16xf32>
        tpu.vector_store %arg11[%swap3A_364, %swap3A_365], %swap3A_368 {strides = array<i32>} : memref<80x512xf32, #tpu.memory_space<vmem>>, vector<1x16xf32>,
        %swap3A_369 = arith.index_cast %scan3A_245 : i32 to index
        %swap3A_370 = arith.constant 368 : index
        %swap3A_371 = tpu.vector_load %arg11[%swap3A_369, %swap3A_370] {strides = array<i32>} : memref<80x512xf32, #tpu.memory_space<vmem>>, vector<1x16xf32>,
        %swap3A_372 = vector.shape_cast %swap3A_371 : vector<1x16xf32> to vector<16xf32>
        %swap3A_373 = vector.shape_cast %broadcast_in_dim3A_215 : vector<16xf32> to vector<1x16xf32>
        tpu.vector_store %arg11[%swap3A_369, %swap3A_370], %swap3A_373 {strides = array<i32>} : memref<80x512xf32, #tpu.memory_space<vmem>>, vector<1x16xf32>,
        %swap3A_374 = arith.index_cast %scan3A_245 : i32 to index
        %swap3A_375 = arith.constant 384 : index
        %swap3A_376 = tpu.vector_load %arg11[%swap3A_374, %swap3A_375] {strides = array<i32>} : memref<80x512xf32, #tpu.memory_space<vmem>>, vector<1x16xf32>,
        %swap3A_377 = vector.shape_cast %swap3A_376 : vector<1x16xf32> to vector<16xf32>
        %swap3A_378 = vector.shape_cast %broadcast_in_dim3A_215 : vector<16xf32> to vector<1x16xf32>
        tpu.vector_store %arg11[%swap3A_374, %swap3A_375], %swap3A_378 {strides = array<i32>} : memref<80x512xf32, #tpu.memory_space<vmem>>, vector<1x16xf32>,
        %swap3A_379 = arith.index_cast %scan3A_245 : i32 to index
        %swap3A_380 = arith.constant 400 : index
        %swap3A_381 = tpu.vector_load %arg11[%swap3A_379, %swap3A_380] {strides = array<i32>} : memref<80x512xf32, #tpu.memory_space<vmem>>, vector<1x16xf32>,
        %swap3A_382 = vector.shape_cast %swap3A_381 : vector<1x16xf32> to vector<16xf32>
        %swap3A_383 = vector.shape_cast %broadcast_in_dim3A_215 : vector<16xf32> to vector<1x16xf32>
        tpu.vector_store %arg11[%swap3A_379, %swap3A_380], %swap3A_383 {strides = array<i32>} : memref<80x512xf32, #tpu.memory_space<vmem>>, vector<1x16xf32>,
        %swap3A_384 = arith.index_cast %scan3A_245 : i32 to index
        %swap3A_385 = arith.constant 416 : index
        %swap3A_386 = tpu.vector_load %arg11[%swap3A_384, %swap3A_385] {strides = array<i32>} : memref<80x512xf32, #tpu.memory_space<vmem>>, vector<1x16xf32>,
        %swap3A_387 = vector.shape_cast %swap3A_386 : vector<1x16xf32> to vector<16xf32>
        %swap3A_388 = vector.shape_cast %broadcast_in_dim3A_215 : vector<16xf32> to vector<1x16xf32>
        tpu.vector_store %arg11[%swap3A_384, %swap3A_385], %swap3A_388 {strides = array<i32>} : memref<80x512xf32, #tpu.memory_space<vmem>>, vector<1x16xf32>,
        %swap3A_389 = arith.index_cast %scan3A_245 : i32 to index
        %swap3A_390 = arith.constant 432 : index
        %swap3A_391 = tpu.vector_load %arg11[%swap3A_389, %swap3A_390] {strides = array<i32>} : memref<80x512xf32, #tpu.memory_space<vmem>>, vector<1x16xf32>,
        %swap3A_392 = vector.shape_cast %swap3A_391 : vector<1x16xf32> to vector<16xf32>
        %swap3A_393 = vector.shape_cast %broadcast_in_dim3A_215 : vector<16xf32> to vector<1x16xf32>
        tpu.vector_store %arg11[%swap3A_389, %swap3A_390], %swap3A_393 {strides = array<i32>} : memref<80x512xf32, #tpu.memory_space<vmem>>, vector<1x16xf32>,
        %swap3A_394 = arith.index_cast %scan3A_245 : i32 to index
        %swap3A_395 = arith.constant 448 : index
        %swap3A_396 = tpu.vector_load %arg11[%swap3A_394, %swap3A_395] {strides = array<i32>} : memref<80x512xf32, #tpu.memory_space<vmem>>, vector<1x16xf32>,
        %swap3A_397 = vector.shape_cast %swap3A_396 : vector<1x16xf32> to vector<16xf32>
        %swap3A_398 = vector.shape_cast %broadcast_in_dim3A_215 : vector<16xf32> to vector<1x16xf32>
        tpu.vector_store %arg11[%swap3A_394, %swap3A_395], %swap3A_398 {strides = array<i32>} : memref<80x512xf32, #tpu.memory_space<vmem>>, vector<1x16xf32>,
        %swap3A_399 = arith.index_cast %scan3A_245 : i32 to index
        %swap3A_400 = arith.constant 464 : index
        %swap3A_401 = tpu.vector_load %arg11[%swap3A_399, %swap3A_400] {strides = array<i32>} : memref<80x512xf32, #tpu.memory_space<vmem>>, vector<1x16xf32>,
        %swap3A_402 = vector.shape_cast %swap3A_401 : vector<1x16xf32> to vector<16xf32>
        %swap3A_403 = vector.shape_cast %broadcast_in_dim3A_215 : vector<16xf32> to vector<1x16xf32>
        tpu.vector_store %arg11[%swap3A_399, %swap3A_400], %swap3A_403 {strides = array<i32>} : memref<80x512xf32, #tpu.memory_space<vmem>>, vector<1x16xf32>,
        %swap3A_404 = arith.index_cast %scan3A_245 : i32 to index
        %swap3A_405 = arith.constant 480 : index
        %swap3A_406 = tpu.vector_load %arg11[%swap3A_404, %swap3A_405] {strides = array<i32>} : memref<80x512xf32, #tpu.memory_space<vmem>>, vector<1x16xf32>,
        %swap3A_407 = vector.shape_cast %swap3A_406 : vector<1x16xf32> to vector<16xf32>
        %swap3A_408 = vector.shape_cast %broadcast_in_dim3A_215 : vector<16xf32> to vector<1x16xf32>
        tpu.vector_store %arg11[%swap3A_404, %swap3A_405], %swap3A_408 {strides = array<i32>} : memref<80x512xf32, #tpu.memory_space<vmem>>, vector<1x16xf32>,
        %swap3A_409 = arith.index_cast %scan3A_245 : i32 to index
        %swap3A_410 = arith.constant 496 : index
        %swap3A_411 = tpu.vector_load %arg11[%swap3A_409, %swap3A_410] {strides = array<i32>} : memref<80x512xf32, #tpu.memory_space<vmem>>, vector<1x16xf32>,
        %swap3A_412 = vector.shape_cast %swap3A_411 : vector<1x16xf32> to vector<16xf32>
        %swap3A_413 = vector.shape_cast %broadcast_in_dim3A_215 : vector<16xf32> to vector<1x16xf32>
        tpu.vector_store %arg11[%swap3A_409, %swap3A_410], %swap3A_413 {strides = array<i32>} : memref<80x512xf32, #tpu.memory_space<vmem>>, vector<1x16xf32>,
      } else {
      }
      %scan3A_253 = arith.constant 0 : i32
      scf.yield %scan3A_253 : i32
    }
    %scan3A_244 = arith.constant 64 : i32
    "tpu.region"() ({
      %run_scoped3A = tpu.sem_alloc : memref<!tpu.dma_semaphore, #tpu.memory_space<semaphore_mem>>
      %dma_start3A_245 = arith.constant 16 : i32
      %dma_start3A_246 = arith.constant 0 : i32
      %dma_start3A_247 = tpu.memref_slice %arg11[%dma_start3A_245, %dma_start3A_246] : memref<80x512xf32, #tpu.memory_space<vmem>> -> memref<64x512xf32, #tpu.memory_space<vmem>>
      %dma_start3A_248 = arith.constant 0 : i32
      %dma_start3A_249 = arith.constant 0 : i32
      %dma_start3A_250 = tpu.memref_slice %arg5[%add3A, %dma_start3A_248, %dma_start3A_249] : memref<32x64x512xf32, #tpu.memory_space<hbm>> -> memref<1x64x512xf32, #tpu.memory_space<hbm>>
      %dma_start3A_251 = tpu.memref_squeeze %dma_start3A_250 : memref<1x64x512xf32, #tpu.memory_space<hbm>> -> memref<64x512xf32, #tpu.memory_space<hbm>>
      %dma_start3A_252 = arith.constant 0 : i32
      %dma_start3A_253 = arith.constant 0 : i32
      %dma_start3A_254 = tpu.memref_slice %arg5[%add3A, %dma_start3A_252, %dma_start3A_253] : memref<32x64x512xf32, #tpu.memory_space<hbm>> -> memref<1x64x512xf32, #tpu.memory_space<hbm>>
      %dma_start3A_255 = tpu.memref_squeeze %dma_start3A_254 : memref<1x64x512xf32, #tpu.memory_space<hbm>> -> memref<64x512xf32, #tpu.memory_space<hbm>>
      %dma_start3A_256 = arith.constant 16 : i32
      %dma_start3A_257 = arith.constant 0 : i32
      %dma_start3A_258 = tpu.memref_slice %arg11[%dma_start3A_256, %dma_start3A_257] : memref<80x512xf32, #tpu.memory_space<vmem>> -> memref<64x512xf32, #tpu.memory_space<vmem>>
      tpu.enqueue_dma source(%dma_start3A_258 : memref<64x512xf32, #tpu.memory_space<vmem>>) target(%dma_start3A_255 : memref<64x512xf32, #tpu.memory_space<hbm>>) target_semaphore(%run_scoped3A : memref<!tpu.dma_semaphore, #tpu.memory_space<semaphore_mem>>)
      %dma_wait3A_259 = arith.constant 16 : i32
      %dma_wait3A_260 = arith.constant 0 : i32
      %dma_wait3A_261 = tpu.memref_slice %arg11[%dma_wait3A_259, %dma_wait3A_260] : memref<80x512xf32, #tpu.memory_space<vmem>> -> memref<64x512xf32, #tpu.memory_space<vmem>>
      %dma_wait3A_262 = arith.constant 0 : i32
      %dma_wait3A_263 = arith.constant 0 : i32
      %dma_wait3A_264 = tpu.memref_slice %arg5[%add3A, %dma_wait3A_262, %dma_wait3A_263] : memref<32x64x512xf32, #tpu.memory_space<hbm>> -> memref<1x64x512xf32, #tpu.memory_space<hbm>>
      %dma_wait3A_265 = tpu.memref_squeeze %dma_wait3A_264 : memref<1x64x512xf32, #tpu.memory_space<hbm>> -> memref<64x512xf32, #tpu.memory_space<hbm>>
      %dma_wait3A_266 = arith.constant 0 : i32
      %dma_wait3A_267 = arith.constant 0 : i32
      %dma_wait3A_268 = tpu.memref_slice %arg5[%add3A, %dma_wait3A_266, %dma_wait3A_267] : memref<32x64x512xf32, #tpu.memory_space<hbm>> -> memref<1x64x512xf32, #tpu.memory_space<hbm>>
      %dma_wait3A_269 = tpu.memref_squeeze %dma_wait3A_268 : memref<1x64x512xf32, #tpu.memory_space<hbm>> -> memref<64x512xf32, #tpu.memory_space<hbm>>
      %dma_wait3A_270 = arith.constant 16 : i32
      %dma_wait3A_271 = arith.constant 0 : i32
      %dma_wait3A_272 = tpu.memref_slice %arg11[%dma_wait3A_270, %dma_wait3A_271] : memref<80x512xf32, #tpu.memory_space<vmem>> -> memref<64x512xf32, #tpu.memory_space<vmem>>
      tpu.wait_dma2 semaphore(%run_scoped3A : memref<!tpu.dma_semaphore, #tpu.memory_space<semaphore_mem>>) src(%dma_wait3A_272 : memref<64x512xf32, #tpu.memory_space<vmem>>) dst(%dma_wait3A_269 : memref<64x512xf32, #tpu.memory_space<hbm>>)
      tpu.yield
    }) : () -> ()
    return
  }
}

module attributes {stable_mosaic.version = 14 : i64} {
  func.func @_score_body(%arg0: memref<32x128x512xf32, #tpu.memory_space<vmem>>, %arg1: memref<512x2xf32, #tpu.memory_space<vmem>>, %arg2: memref<1x2xf32, #tpu.memory_space<vmem>>, %arg3: memref<4096x2xf32, #tpu.memory_space<vmem>>) attributes {dimension_semantics = [], scalar_prefetch = 0 : i64, scratch_operands = 0 : i64, tpu.core_type = #tpu.core_type<tc>} {
    %get3A = arith.constant 0 : index
    %get3A_0 = arith.constant 0 : index
    %get3A_1 = vector.load %arg2[%get3A, %get3A_0] : memref<1x2xf32, #tpu.memory_space<vmem>>, vector<1x2xf32>
    %get3A_2 = arith.constant 0 : index
    %get3A_3 = arith.constant 0 : index
    %get3A_4 = vector.load %arg1[%get3A_2, %get3A_3] : memref<512x2xf32, #tpu.memory_space<vmem>>, vector<512x2xf32>
    %convert_element_type3A = arith.truncf %get3A_4 : vector<512x2xf32> to vector<512x2xbf16>
    %get3A_5 = arith.constant 0 : index
    %get3A_6 = arith.constant 0 : index
    %get3A_7 = arith.constant 0 : index
    %get3A_8 = vector.load %arg0[%get3A_5, %get3A_6, %get3A_7] : memref<32x128x512xf32, #tpu.memory_space<vmem>>, vector<32x128x512xf32>
    %reshape3A = vector.shape_cast %get3A_8 : vector<32x128x512xf32> to vector<4096x512xf32>
    %convert_element_type3A_9 = arith.truncf %reshape3A : vector<4096x512xf32> to vector<4096x512xbf16>
    %dot_general3A = arith.constant dense<0.000000e+00> : vector<4096x2xf32>
    %dot_general3A_10 = tpu.matmul %convert_element_type3A_9, %convert_element_type3A, %dot_general3A {dimension_numbers = #tpu.dot_dimension_numbers<[1], [0], [0], [1], [0, 0, 1, 1], [], []>, transpose_lhs_hint = false} : vector<4096x512xbf16>, vector<512x2xbf16>, vector<4096x2xf32> -> vector<4096x2xf32>
    %add3A = vector.broadcast %get3A_1 : vector<1x2xf32> to vector<4096x2xf32>
    %add3A_11 = arith.addf %dot_general3A_10, %add3A : vector<4096x2xf32>
    %slice3A = vector.extract_strided_slice %add3A_11 {offsets = [0, 0], sizes = [4096, 1], strides = [1, 1]} : vector<4096x2xf32> to vector<4096x1xf32>
    %logistic3A = arith.negf %slice3A : vector<4096x1xf32>
    %logistic3A_12 = math.exp %logistic3A : vector<4096x1xf32>
    %logistic3A_13 = arith.constant 1.000000e+00 : f32
    %logistic3A_14 = vector.broadcast %logistic3A_13 : f32 to vector<4096x1xf32>
    %logistic3A_15 = arith.addf %logistic3A_14, %logistic3A_12 : vector<4096x1xf32>
    %logistic3A_16 = arith.divf %logistic3A_14, %logistic3A_15 : vector<4096x1xf32>
    %slice3A_17 = vector.extract_strided_slice %add3A_11 {offsets = [0, 1], sizes = [4096, 1], strides = [1, 1]} : vector<4096x2xf32> to vector<4096x1xf32>
    %concatenate3A = tpu.concatenate %logistic3A_16, %slice3A_17 in 1 : vector<4096x1xf32>, vector<4096x1xf32> -> vector<4096x2xf32>
    %swap3A = arith.constant 0 : index
    %swap3A_18 = arith.constant 0 : index
    %swap3A_19 = vector.load %arg3[%swap3A, %swap3A_18] : memref<4096x2xf32, #tpu.memory_space<vmem>>, vector<4096x2xf32>
    tpu.vector_store %arg3[%swap3A, %swap3A_18], %concatenate3A {strides = array<i32>} : memref<4096x2xf32, #tpu.memory_space<vmem>>, vector<4096x2xf32>,
    return
  }
}

</mosaic_0001>

<sc_bundles>
// kernel: kernel.4.cloned.1.call-start
scs
__scs_entry_jumppad:
0x0: {  	(pc) =	sbr.rel $0x88, $3  }
0x1: {  	(tag) =	ssettag $0x0;
	lr =	simm.s32 $0x1  }
0x2: {  	[smem:$0x3F9C] =	sst lr;
	_ =	strace $0xD0000000  }
0x3: {  	_ = 	snop  }
0x4: {  	_ = 	snop  }
0x5: {  	_ = 	snop  }
0x6: {  	_ = 	snop  }
0x7: {  	_ = 	snop  }
__scs_overlays_trampoline_lowered:
0x8: {  	[smem:$0x3FAB] =	sst s0  }
0x9: {  	[smem:$0x3FAC] =	sst s1  }
0xa: {  	[smem:$0x3FAD] =	sst s2  }
0xb: {  	[smem:$0x3FAE] =	sst s3  }
0xc: {  	[smem:$0x3FAF] =	sst s4  }
0xd: {  	[smem:$0x3FB0] =	sst s5  }
0xe: {  	[smem:$0x3FB1] =	sst s6  }
0xf: {  	[smem:$0x3FB2] =	sst s7  }
0x10: {  	[smem:$0x3FB3] =	sst s8  }
0x11: {  	[smem:$0x3FB4] =	sst s9;
	s0 =	simm.s32 @!p0 $0x0  }
0x12: {  	s1 =	sld [smem:$0x3F9A];
	s0 =	simm.s32 @p0 $0x1  }
0x13: {  	[smem:$0x3FB5] =	sst s0;
	s0 =	simm.s32 @!p1 $0x0  }
0x14: {  	s2 =	sld [smem:$0x3F99];
	s0 =	simm.s32 @p1 $0x1  }
0x15: {  	[smem:$0x3FB6] =	sst s0;
	s0 =	simm.s32 @!p2 $0x0  }
0x16: {  	s3 =	sld [smem:$0x3FDB];
	s0 =	simm.s32 @p2 $0x1  }
0x17: {  	s4 =	simm.s32 $0x1BF5;
	[smem:$0x3FB8] =	sst s0  }
0x18: {  	s0 =	sld [smem:$0x3F9B];
	_ =	swait.ge [sflag:s4], $0x0  }
0x19: {  	s7 =	sld [smem:$0x3F9C]  }
0x1a: {  	s8 =	sadd.s32 $0xFFFFE003, lr  }
0x1b: {  	s9 =	sadd.s32 $0xFFFFFEF7, lr;
	s5 =	simm.s32 $0xFFFFFFFF;
	p2 =	slt.u32 s8, $0xFFFFF086  }
0x1c: {  	p1 =	slt.u32 s9, $0xF7A;
	s5 =	simm.s32 @!p2 $0x0  }
0x1d: {  	s5 =	simm.s32 @p1 $0x1;
	p0 =	seq.s32 s7, s2  }
0x1e: {  	s7 =	smul.u32 @!p0 $0xF7A, s2;
	p2 =	seq.s32 @!p0 s5, $0x0  }
0x1f: {  	s9 =	smul.u32 $0xF7A, s1;
	s8 =	simm.s32 @!p0 $0x1BF5;
	p2 =	por !p2, p0  }
0x20: {  	[sflag:s8] =	ssyncset.s32 @!p0 $0xFFFFF086;
	s6 =	sadd.s32 @!p0 s3, s7;
	s7 =	simm.s32 @!p0 $0x108  }
0x21: {  	s3 =	sadd.s32 s3, s9;
	s6 =	sadd.s32 @!p0 $0x88, s6;
	s7 =	simm.s32 @p2 $0x1082  }
0x22: {  	[simem:s7], [sflag:s8] =	dma.local @!p0 [hbm:s6], $0xF7A  }
0x23: {  	s9 =	sor.u32 $0xD0000000, s2;
	s6 =	simm.s32 $0x108;
	_ =	swait.ge @!p0 [sflag:s8], $0x0  }
0x24: {  	s3 =	sadd.s32 $0x88, s3;
	s6 =	simm.s32 @!p1 $0x1082;
	[sflag:s4] =	ssyncset.s32 $0xFFFFF086  }
0x25: {  	[simem:s6], [sflag:s4] =	dma.local [hbm:s3], $0xF7A  }
0x26: {  	[smem:$0x3F9C] =	sst s1;
	(tag) =	ssettag s2;
	_ =	strace s9  }
0x27: {  	s1 =	sld [smem:$0x3FAC]  }
0x28: {  	s2 =	sld [smem:$0x3FAD]  }
0x29: {  	s4 =	sld [smem:$0x3FAF]  }
0x2a: {  	p0 =	seq.s32 s5, $0x0;
	s5 =	sld [smem:$0x3FB0]  }
0x2b: {  	s6 =	sld [smem:$0x3FB1]  }
0x2c: {  	s7 =	sld [smem:$0x3FB2]  }
0x2d: {  	s3 =	simm.s32 $0x108;
	s8 =	sld [smem:$0x3FB3]  }
0x2e: {  	s3 =	simm.s32 @!p0 $0x1082;
	s9 =	sld [smem:$0x3FB4]  }
0x2f: {  	lr =	sadd.s32 s0, s3;
	s0 =	sld [smem:$0x3FAB]  }
0x30: {  	s3 =	sld [smem:$0x3FAE]  }
0x31: {  	[smem:$0x3FB7] =	sst s10  }
0x32: {  	s10 =	sld [smem:$0x3FB5];
	_ =	sdelay $0x3  }
0x33: {  	p0 =	seq.s32 s10, $0x1;
	s10 =	sld [smem:$0x3FB7];
	_ =	sdelay $0x3  }
0x34: {  	[smem:$0x3FB7] =	sst s10  }
0x35: {  	s10 =	sld [smem:$0x3FB6];
	_ =	sdelay $0x3  }
0x36: {  	p1 =	seq.s32 s10, $0x1;
	s10 =	sld [smem:$0x3FB7];
	_ =	sdelay $0x3  }
0x37: {  	[smem:$0x3FB7] =	sst s10  }
0x38: {  	s10 =	sld [smem:$0x3FB8]  }
0x39: {  	_ = 	snop;
	(pc) =	sbr.ind lr, $3  }
0x3a: {  	_ = 	snop  }
0x3b: {  	_ = 	snop  }
0x3c: {  	p2 =	seq.s32 s10, $0x1;
	s10 =	sld [smem:$0x3FB7]  }
0x3d: {  	_ =	shalt  }
0x3e: {  	_ =	shalt  }
0x3f: {  	_ =	shalt  }
0x40: {  	_ =	shalt  }
0x41: {  	_ =	shalt  }
0x42: {  	_ =	shalt  }
0x43: {  	_ =	shalt  }
0x44: {  	_ =	shalt  }
0x45: {  	_ =	shalt  }
0x46: {  	_ =	shalt  }
0x47: {  	_ =	shalt  }
0x48: {  	_ =	shalt  }
0x49: {  	_ =	shalt  }
0x4a: {  	_ =	shalt  }
0x4b: {  	_ =	shalt  }
0x4c: {  	_ =	shalt  }
0x4d: {  	_ =	shalt  }
0x4e: {  	_ =	shalt  }
0x4f: {  	_ =	shalt  }
0x50: {  	_ =	shalt  }
0x51: {  	_ =	shalt  }
0x52: {  	_ =	shalt  }
0x53: {  	_ =	shalt  }
0x54: {  	_ =	shalt  }
0x55: {  	_ =	shalt  }
0x56: {  	_ =	shalt  }
0x57: {  	_ =	shalt  }
0x58: {  	_ =	shalt  }
0x59: {  	_ =	shalt  }
0x5a: {  	_ =	shalt  }
0x5b: {  	_ =	shalt  }
0x5c: {  	_ =	shalt  }
0x5d: {  	_ =	shalt  }
0x5e: {  	_ =	shalt  }
0x5f: {  	_ =	shalt  }
0x60: {  	_ =	shalt  }
0x61: {  	_ =	shalt  }
0x62: {  	_ =	shalt  }
0x63: {  	_ =	shalt  }
0x64: {  	_ =	shalt  }
0x65: {  	_ =	shalt  }
0x66: {  	_ =	shalt  }
0x67: {  	_ =	shalt  }
0x68: {  	_ =	shalt  }
0x69: {  	_ =	shalt  }
0x6a: {  	_ =	shalt  }
0x6b: {  	_ =	shalt  }
0x6c: {  	_ =	shalt  }
0x6d: {  	_ =	shalt  }
0x6e: {  	_ =	shalt  }
0x6f: {  	_ =	shalt  }
0x70: {  	_ =	shalt  }
0x71: {  	_ =	shalt  }
0x72: {  	_ =	shalt  }
0x73: {  	_ =	shalt  }
0x74: {  	_ =	shalt  }
0x75: {  	_ =	shalt  }
0x76: {  	_ =	shalt  }
0x77: {  	_ =	shalt  }
0x78: {  	_ =	shalt  }
0x79: {  	_ =	shalt  }
0x7a: {  	_ =	shalt  }
0x7b: {  	_ =	shalt  }
0x7c: {  	_ =	shalt  }
0x7d: {  	_ =	shalt  }
0x7e: {  	_ =	shalt  }
0x7f: {  	_ =	shalt  }
0x80: {  	_ =	shalt  }
0x81: {  	_ =	shalt  }
0x82: {  	_ =	shalt  }
0x83: {  	_ =	shalt  }
0x84: {  	_ =	shalt  }
0x85: {  	_ =	shalt  }
0x86: {  	_ =	shalt  }
0x87: {  	_ =	shalt  }
.Lfunc_end0:
.L_simem_size_0:
called_computation_lowered:
.L_overlay_start_0:
0x88: {  	s2 =	sld [smem:$0x3FD9]  }
0x89: {  	s3 =	sld [smem:$0x3FFE];
	_ =	sdelay $0x1  }
0x8a: {  	s1 =	srdreg.scid  }
0x8b: {  	s0 =	sand.u32 $0x1, s1  }
0x8c: {  	s14 =	sshll.u32 s0, $0xA;
	s2 =	sadd.s32 s3, s2  }
0x8d: {  	s2 =	sadd.s32 s2, s14  }
0x8e: {  	[smem:$0x3FC3] =	sst s2  }
0x8f: {  	_ = 	snop  }
0x90: {  	s2 =	sld [smem:$0x3FD0];
	_ =	sdelay $0x2  }
0x91: {  	s4 =	simm.s32 $0xA;
	s5 =	simm.s32 $0x10;
	s15 =	sld [smem:$0x3FC9]  }
0x92: {  	[smem:s5], [sflag:s4] =	dma.local [hbm:s2], $0x1  }
0x93: {  	_ =	swait.eq [sflag:s4], $0x1  }
0x94: {  	s16 =	sld [smem:$0x10];
	[sflag:s4] =	ssyncset.done $0x0  }
0x95: {  	s17 =	sld [smem:$0x11];
	[sflag:s4] =	ssyncadd.s32 $0xFFFFFFFF  }
0x96: {  	s18 =	sld [smem:$0x12];
	(tm) =	ssettm $0x1  }
0x97: {  	s6 =	sld [smem:$0x3FFB];
	_ =	sdelay $0x3  }
0x98: {  	_ =	strace s6  }
0x99: {  	s6 =	sld [smem:$0x3FFC];
	_ =	sdelay $0x3  }
0x9a: {  	_ =	strace s6  }
0x9b: {  	s6 =	sld [smem:$0x3FFD];
	_ =	sdelay $0x3  }
0x9c: {  	_ =	strace s6  }
0x9d: {  	_ =	strace $0x8FFFFFFF  }
0x9e: {  	s19 =	sld [smem:$0x3FDB];
	_ =	sdelay $0x1  }
0x9f: {  	s7 =	simm.s32 $_scs_section_size  }
0xa0: {  	s8 =	simm.s32 $_size__tile_overlayer_lowered;
	s9 =	simm.s32 $_tile_overlayer_lowered  }
0xa1: {  	s22 =	simm.s32 $0x1BFF;
	s21 =	sshll.u32 s9, $0x1;
	s6 =	sadd.s32 s7, s19  }
0xa2: {  	s10 =	simm.s32 $0x0;
	s20 =	sshll.u32 s8, $0x1;
	s8 =	sadd.s32 s21, s6  }
0xa3: {  	[timem:s10], [sflag:s22] =	dma.local [hbm:s8], s20  }
0xa4: {  	_ =	swait.ge [sflag:s22], s20  }
0xa5: {  	s7 =	ssub.s32 $0x0, s20;
	[sflag:s22] =	ssyncset.done $0x0  }
0xa6: {  	[sflag:s22] =	ssyncadd.s32 s7;
	_ =	sdelay $0x1  }
0xa7: {  	s23 =	simm.s32 $0x1B8B  }
0xa8: {  	_ =	swait.ge [sflag:s23], $0x1  }
0xa9: {  	[sflag:s23] =	ssyncset.done $0x0  }
0xaa: {  	s25 =	simm.s32 $0x1B8E;
	s24 =	sld [smem:$0x3FFE];
	[sflag:s23] =	ssyncadd.s32 $0xFFFFFFFF  }
0xab: {  	s26 =	simm.s32 $execute0_lowered;
	[smem:$0x3FD2] =	sst s25  }
0xac: {  	s8 =	sshll.u32 s26, $0x1;
	_ =	strace $0x80000046;
	[dreg:$0x1] =	wrdreg $0xFFFFFFFF  }
0xad: {  	s28 =	simm.s32 $_size_execute0_lowered;
	s6 =	sadd.s32 s6, s8;
	[dreg:$0x0] =	wrdreg $0x0  }
0xae: {  	s8 =	sshll.u32 s28, $0x1;
	[dreg:$0x2] =	wrdreg s6  }
0xaf: {  	[dreg:$0x3] =	wrdreg s8  }
0xb0: {  	[dreg:$0x4] =	wrdreg $0xC0  }
0xb1: {  	_ =	task [dreg:s10], $0x5FFFF  }
0xb2: {  	[dreg:$0x1] =	wrdreg $0xFFFFFFFF  }
0xb3: {  	[dreg:$0x0] =	wrdreg $0x60  }
0xb4: {  	[dreg:$0x2] =	wrdreg s15  }
0xb5: {  	[dreg:$0x3] =	wrdreg s24  }
0xb6: {  	[dreg:$0x4] =	wrdreg s16  }
0xb7: {  	[dreg:$0x5] =	wrdreg s17  }
0xb8: {  	[dreg:$0x6] =	wrdreg s18  }
0xb9: {  	[dreg:$0x7] =	wrdreg $0x9  }
0xba: {  	_ =	task.clear_ibuf [dreg:s10], $0x8FFFF;
	_ =	strace $0x90000046  }
0xbb: {  	s29 =	simm.s32 $0x9;
	_ =	strace $0x80000048  }
0xbc: {  	_ =	swait.ge [sflag:s29], $0x1  }
0xbd: {  	[sflag:s29] =	ssyncadd.s32 $0xFFFFFFFF  }
0xbe: {  	_ =	strace $0x90000048  }
0xbf: {  	_ =	sfence  }
0xc0: {  	s30 =	sld [smem:$0x0];
	_ =	sdelay $0x2  }
0xc1: {  	s31 =	sshll.u32 s1, $0xD;
	s1 =	sshrl.u32 s1, $0x2  }
0xc2: {  	s3 =	sand.u32 $0x4000, s31;
	s1 =	sadd.s32 s1, s30  }
0xc3: {  	s0 =	sor.u32 s3, s0;
	s1 =	sshll.u32 s1, $0x11  }
0xc4: {  	s0 =	sor.u32 s1, s0  }
0xc5: {  	s0 =	sadd.s32 $0x8F2B, s0  }
0xc6: {  	[sflag:s0] =	ssyncadd.remote.s32 $0x1  }
0xc7: {  	_ =	sfence.sel $0xFFFF  }
0xc8: {  	[dreg:$0x0] =	wrdreg $0xFFFFFFFF;
	(pc) =	sbr.abs _section_cstart, $3  }
0xc9: {  	[dreg:$0x1] =	wrdreg $0xFFFFFFFF  }
0xca: {  	_ =	task.clear_ibuf [dreg:s10], $0x2FFFF;
	_ =	strace $0x9FFFFFFF  }
0xcb: {  	(tm) =	ssettm $0x7FFFFFFF  }
tec
execute0_lowered:
.L_overlay_start_1:
0x0: {  	(tag) =	ssettag $0x1  }
0x1: {  	v0 =	vimm.s32 $0xBA98FEDC;
	v1 =	vimm.s32 $0x32107654  }
0x2: {  	v2 =	vimm.s32 $0xFEDCBA98;
	v3 =	vimm.s32 $0x76543210;
	vm14 =	vcmask $0x300  }
0x3: {  	vm13 =	vcmask $0x704;
	v5 =	vimm.s32 $0x54761032;
	vm12 =	vcmask $0xB08  }
0x4: {  	vm11 =	vcmask $0xF0C;
	vm10 =	vcmask $0x1310;
	vm9 =	vcmask $0x1714  }
0x5: {  	v6 =	vimm.s32 $0xEFCDAB89;
	vm8 =	vcmask $0x1B18;
	vm7 =	vcmask $0x1F1C  }
0x6: {  	v7 =	vimm.s32 $0x67452301;
	vm6 =	vcmask $0x2320;
	vm5 =	vcmask $0x2724  }
0x7: {  	vm4 =	vcmask $0x2B28;
	vm3 =	vcmask $0x2F2C;
	vm2 =	vcmask $0x3330  }
0x8: {  	vm0 =	vcmask $0x3734;
	vm1 =	vcmask $0x3B38;
	v8 =	vimm.f32 $3.100000000e+01  }
0x9: {  	v10 =	vimm.f32 $4.700000000e+01;
	v11 =	vimm.f32 $6.300000000e+01;
	v0 =	vunpack.c.l.s4.s8 v0  }
0xa: {  	v1 =	vunpack.c.l.s4.s8 v1;
	v2 =	vunpack.c.l.s4.s8 v2;
	v3 =	vunpack.c.l.s4.s8 v3  }
0xb: {  	v5 =	vunpack.c.l.s4.s8 v5;
	v6 =	vunpack.c.l.s4.s8 v6;
	v7 =	vunpack.c.l.s4.s8 v7  }
0xc: {  	v9 =	vsel vm14, $0x41800000, v8;
	v10 =	vsel vm14, $0x42000000, v10;
	v11 =	vsel vm14, $0x42400000, v11  }
0xd: {  	v9 =	vsel vm13, $0x41880000, v9;
	v10 =	vsel vm13, $0x42040000, v10;
	v11 =	vsel vm13, $0x42440000, v11  }
0xe: {  	v0 =	vunpack.c.0.s8.s32 v0;
	v1 =	vunpack.c.0.s8.s32 v1;
	v2 =	vunpack.c.0.s8.s32 v2  }
0xf: {  	s0 =	srdreg.scid;
	s1 =	stileid.u32;
	v3 =	vunpack.c.0.s8.s32 v3;
	v5 =	vunpack.c.0.s8.s32 v5;
	v6 =	vunpack.c.0.s8.s32 v6  }
0x10: {  	s2 =	sand.u32 $0x1, s0;
	s25 =	sshll.u32 s1, $0x1;
	v7 =	vunpack.c.0.s8.s32 v7;
	v9 =	vsel vm12, $0x41900000, v9;
	v10 =	vsel vm12, $0x42080000, v10  }
0x11: {  	s0 =	sor.u32 s2, s25;
	v11 =	vsel vm12, $0x42480000, v11;
	v9 =	vsel vm11, $0x41980000, v9;
	v10 =	vsel vm11, $0x420C0000, v10  }
0x12: {  	s26 =	sshll.u32 s0, $0x7;
	v11 =	vsel vm11, $0x424C0000, v11;
	v4 =	vcombine.low v1, v0;
	v1 =	vand.u32 $0xF, v2  }
0x13: {  	v0 =	vmov s26;
	v9 =	vsel vm10, $0x41A00000, v9;
	v10 =	vsel vm10, $0x42100000, v10  }
0x14: {  	v11 =	vsel vm10, $0x42500000, v11;
	v1 =	vcombine.low v1, v3;
	v3 =	vimm.s32 $0xDCFE98BA  }
0x15: {  	v9 =	vsel vm9, $0x41A80000, v9;
	v10 =	vsel vm9, $0x42140000, v10;
	v11 =	vsel vm9, $0x42540000, v11  }
0x16: {  	v2 =	vand.u32 $0xF, v4;
	v4 =	vimm.f32 $1.500000000e+01;
	v3 =	vunpack.c.l.s4.s8 v3  }
0x17: {  	v9 =	vsel vm8, $0x41B00000, v9;
	v10 =	vsel vm8, $0x42180000, v10;
	v11 =	vsel vm8, $0x42580000, v11  }
0x18: {  	v4 =	vsel vm14, $0x0, v4;
	v9 =	vsel vm7, $0x41B80000, v9;
	v10 =	vsel vm7, $0x421C0000, v10  }
0x19: {  	v11 =	vsel vm7, $0x425C0000, v11;
	v4 =	vsel vm13, $0x3F800000, v4;
	v3 =	vunpack.c.0.s8.s32 v3  }
0x1a: {  	v9 =	vsel vm6, $0x41C00000, v9;
	v10 =	vsel vm6, $0x42200000, v10;
	v4 =	vsel vm12, $0x40000000, v4  }
0x1b: {  	v11 =	vsel vm6, $0x42600000, v11;
	v9 =	vsel vm5, $0x41C80000, v9;
	v4 =	vsel vm11, $0x40400000, v4  }
0x1c: {  	s4 =	rddreg [dreg:$0x1];
	v10 =	vsel vm5, $0x42240000, v10;
	v11 =	vsel vm5, $0x42640000, v11;
	v4 =	vsel vm10, $0x40800000, v4  }
0x1d: {  	s8 =	rddreg [dreg:$0x2];
	v3 =	vcombine.low v5, v3;
	v5 =	vcombine.low v7, v6;
	v4 =	vsel vm9, $0x40A00000, v4  }
0x1e: {  	s9 =	rddreg [dreg:$0x3];
	v7 =	vimm.f32 $0.0e+00;
	v9 =	vsel vm4, $0x41D00000, v9;
	v4 =	vsel vm8, $0x40C00000, v4  }
0x1f: {  	s6 =	rddreg [dreg:$0x4];
	s3 =	simm.s32 $0x0;
	s11 =	simm.s32 $0x3;
	v10 =	vsel vm4, $0x42280000, v10;
	v11 =	vsel vm4, $0x42680000, v11;
	v4 =	vsel vm7, $0x40E00000, v4  }
0x20: {  	s12 =	simm.s32 $0x1;
	s13 =	simm.s32 $0x280;
	s17 =	simm.s32 $0x2280;
	v9 =	vsel vm3, $0x41D80000, v9;
	v10 =	vsel vm3, $0x422C0000, v10;
	v4 =	vsel vm6, $0x41000000, v4  }
0x21: {  	s30 =	simm.s32 $0x8280;
	s31 =	simm.s32 $0x8A80;
	s14 =	simm.s32 $0x210;
	v11 =	vsel vm3, $0x426C0000, v11;
	v3 =	vand.u32 $0xF, v3;
	v4 =	vsel vm5, $0x41100000, v4  }
0x22: {  	s15 =	simm.s32 $0x2;
	s16 =	simm.s32 $0x0;
	[smem:$0x7FF] =	sst s3;
	v9 =	vsel vm2, $0x41E00000, v9;
	v12 =	vsel vm2, $0x42300000, v10;
	v4 =	vsel vm4, $0x41200000, v4  }
0x23: {  	s1 =	rddreg [dreg:$0x0];
	_ =	strace $0x80000047;
	s2 =	ssub.s32 $0x2, s2;
	v13 =	vsel vm2, $0x42700000, v11;
	v9 =	vsel vm0, $0x41E80000, v9;
	v4 =	vsel vm3, $0x41300000, v4  }
0x24: {  	s5 =	sshll.u32 s0, $0x5;
	s7 =	sshll.u32 s0, $0x3;
	s28 =	sshrl.u32 s2, $0x1;
	v12 =	vsel vm0, $0x42340000, v12;
	v13 =	vsel vm0, $0x42740000, v13;
	v4 =	vsel vm2, $0x41400000, v4  }
0x25: {  	s10 =	sshll.u32 s0, $0x1;
	s29 =	sshll.u32 s0, $0xA;
	s0 =	sshll.u32 s0, $0xC;
	v9 =	vsel vm1, $0x41F00000, v9;
	v11 =	vsel vm1, $0x42380000, v12;
	v6 =	vsel vm0, $0x41500000, v4  }
0x26: {  	s5 =	sadd.s32 s5, s4;
	s7 =	sadd.s32 s7, s4;
	s2 =	ssub.s32 s2, s28;
	v4 =	vand.u32 $0xF, v5;
	v5 =	vsel vm1, $0x41600000, v6;
	v6 =	vlaneseq.u32  }
0x27: {  	s6 =	sadd.s32 s6, s10;
	s8 =	sadd.s32 s8, s29;
	s9 =	sadd.s32 s9, s0;
	v13 =	vsel vm1, $0x42780000, v13;
	vm0 =	vmmov $0xffff;
	v8 =	vor.u32 $0x10, v6  }
0x28: {  	s0 =	simm.s32 $0x9A80;
	s4 =	sadd.s32 $0xA00, s5;
	s5 =	sadd.s32 $0x100, s1;
	v10 =	vor.u32 $0x20, v6;
	v12 =	vor.u32 $0x30, v6;
	v15 =	vshrl.u32 v6, $0x3  }
0x29: {  	s7 =	sadd.s32 $0xE00, s7;
	s10 =	smax.u32 s2, $0x1;
	s2 =	simm.s32 $0x9280;
	v14 =	vand.u32 $0x7, v6;
	v16 =	vor.u32 $0x8, v6;
	v15 =	vmul.u32 $0x8, v15  }
.LBB2_1:
0x2a: {  	[tilespmem:s3], [sflag:$0x3] =	stream.linear.gather [hbm4b:s4+s3], $0x100, $0x38;
	[tilespmem:$0xA280] =	vst v63  }
0x2b: {  	_ =	swait.ge [sflag:s11], $0x100  }
0x2c: {  	v18 =	vperm.xlane v7, v1;
	[sflag:s11] =	ssyncset.done $0x0  }
0x2d: {  	v17 =	vimm.s32 $0x0;
	[sflag:s11] =	ssyncadd.s32 $0xFFFFFF00  }
0x2e: {  	v18 =	vmin.f32 v7, v18;
	[tilespmem:$0x180] =	vst v17  }
0x2f: {  	v19 =	vperm.xlane v18, v2;
	[tilespmem:$0x190] =	vst v17  }
0x30: {  	[tilespmem:$0x1A0] =	vst v17  }
0x31: {  	[tilespmem:$0x1B0] =	vst v17;
	v18 =	vmin.f32 v18, v19  }
0x32: {  	[tilespmem:$0x1C0] =	vst v17;
	v20 =	vperm.xlane v18, v3  }
0x33: {  	v19 =	vld [tilespmem:s3+$0x0]  }
0x34: {  	v18 =	vmin.f32 v18, v20  }
0x35: {  	v20 =	vperm.xlane v18, v4;
	_ =	sdelay $0x1  }
0x36: {  	v18 =	vmin.f32 v18, v20  }
0x37: {  	(v2sf) =	vpush v19, $0x0;
	vm1 =	veq.f32 v7, v18  }
0x38: {  	v18 =	vnsel vm1, $0x41800000, v5  }
0x39: {  	v20 =	vperm.xlane v18, v1;
	_ =	sdelay $0x1  }
0x3a: {  	v18 =	vmin.f32 v18, v20  }
0x3b: {  	v20 =	vperm.xlane v18, v2;
	_ =	sdelay $0x1  }
0x3c: {  	v18 =	vmin.f32 v18, v20  }
0x3d: {  	v20 =	vperm.xlane v18, v3;
	_ =	sdelay $0x1  }
0x3e: {  	v18 =	vmin.f32 v18, v20  }
0x3f: {  	v20 =	vperm.xlane v18, v4;
	_ =	sdelay $0x1  }
0x40: {  	p0 =	por $0x0, $0x0;
	s18 =	simm.s32 $0x1;
	v18 =	vmin.f32 v18, v20  }
0x41: {  	s18 =	simm.s32 @!p0 $0x0;
	v18 =	vtrunc.f32 v18  }
0x42: {  	s19 =	spop (v2sf);
	v20 =	vmov s18;
	v18 =	vcvt.f32.s32 v18  }
0x43: {  	s20 =	sand.u32 $0xF, s3;
	p0 =	sge.f32 s19, $4.000000060e-01;
	v20 =	vxor.u32 $0x1, v20  }
0x44: {  	s21 =	sand.u32 $0x3F, s3;
	s29 =	sor.u32 $0x10, s20;
	s19 =	smov.u32 s18;
	v20 =	vmul.u32 s3, v20;
	v21 =	vmul.u32 s18, v18  }
0x45: {  	s21 =	ssub.s32 s21, s20;
	s20 =	simm.s32 $0x1;
	s19 =	simm.s32 @!p0 $0x0  }
0x46: {  	v22 =	vld [tilespmem:s21+$0x190];
	s20 =	simm.s32 @!p0 $0x0;
	s18 =	smul.u32 s29, s19;
	v20 =	vadd.s32 v20, v21  }
0x47: {  	v20 =	vmul.u32 s20, v20;
	s20 =	simm.s32 $0x0  }
0x48: {  	p1 =	por $0x1, $0x1;
	v19 =	vadd.f32 $0.0e+00, v19;
	s18 =	sxor.u32 $0x10, s18;
	s20 =	simm.s32 @!p0 $0x10  }
0x49: {  	v18 =	vperm.xlane v17, v18;
	v62 =	vmov s18;
	p0 =	por !p0, !p1;
	v20 =	vadd.s32 s20, v20  }
0x4a: {  	s22 =	simm.s32 $0x1;
	vm1 =	veq.s32 v62, v6;
	p0 =	por !p0, !p0;
	v63 =	vcvt.s32.f32 v20  }
0x4b: {  	v19 =	vbroadcast v19, $0x1;
	s18 =	sadd.s32 $0x0, s19;
	v18 =	vsel vm1, v18, v22;
	s22 =	simm.s32 @!p0 $0x0;
	vm1 =	veq.s32 v20, v6  }
0x4c: {  	s20 =	simm.s32 $0x1;
	[tilespmem:s21+$0x190] =	vst v18;
	s21 =	simm.s32 $0x2;
	v18 =	vimm.f32 $0.0e+00;
	s19 =	sadd.s32 $0x0, s22;
	v17 =	vsel vm1, s3, v17;
	vm1 =	veq.f32 v63, v5  }
.LBB2_2:
0x4d: {  	v20 =	vld [tilespmem:s21+$0x0];
	p0 =	sne.s32 s20, $0x7C;
	v18 =	vsel vm1, v19, v18;
	s22 =	smov.u32 s20;
	s20 =	sadd.s32 $0x1, s20  }
0x4e: {  	s24 =	smov.u32 s18;
	s23 =	smov.u32 s19;
	v19 =	vperm.xlane v18, v1;
	_ =	sdelay $0x1  }
0x4f: {  	v19 =	vmin.f32 v18, v19  }
0x50: {  	v21 =	vperm.xlane v19, v2  }
0x51: {  	v22 =	vadd.f32 $0.0e+00, v20;
	(v2sf) =	vpush v20, $0x0  }
0x52: {  	v19 =	vmin.f32 v19, v21  }
0x53: {  	v20 =	vperm.xlane v19, v3;
	_ =	sdelay $0x1  }
0x54: {  	v19 =	vmin.f32 v19, v20  }
0x55: {  	v20 =	vperm.xlane v19, v4;
	_ =	sdelay $0x1  }
0x56: {  	v19 =	vmin.f32 v19, v20  }
0x57: {  	vm1 =	veq.f32 v18, v19  }
0x58: {  	v19 =	vnsel vm1, $0x41800000, v5  }
0x59: {  	v20 =	vperm.xlane v19, v1;
	_ =	sdelay $0x1  }
0x5a: {  	v19 =	vmin.f32 v19, v20  }
0x5b: {  	v20 =	vperm.xlane v19, v2;
	_ =	sdelay $0x1  }
0x5c: {  	p2 =	sgt.s32 s19, $0xF;
	s28 =	simm.s32 $0x1;
	s25 =	spop (v2sf)  }
0x5d: {  	s28 =	simm.s32 @!p2 $0x0;
	v19 =	vmin.f32 v19, v20;
	p1 =	sge.f32 s25, $4.000000060e-01  }
0x5e: {  	s26 =	sand.u32 $0xF, s18;
	v20 =	vperm.xlane v19, v3;
	s25 =	smov.u32 s28  }
0x5f: {  	p3 =	slt.s32 s19, $0x10;
	s29 =	sor.u32 $0x10, s26;
	s25 =	simm.s32 @!p1 $0x0  }
0x60: {  	v19 =	vmin.f32 v19, v20;
	v20 =	vmov s28;
	p2 =	por !p1, !p3;
	s29 =	smul.u32 s29, s25  }
0x61: {  	v21 =	vperm.xlane v19, v4;
	v20 =	vxor.u32 $0x1, v20;
	p2 =	por !p2, !p2;
	s18 =	sadd.s32 s18, s25;
	s25 =	simm.s32 $0x1  }
0x62: {  	s24 =	sand.u32 $0x3F, s24;
	s25 =	simm.s32 @!p2 $0x0  }
0x63: {  	s24 =	ssub.s32 s24, s26;
	v19 =	vmin.f32 v19, v21;
	s26 =	sxor.u32 $0x10, s29;
	s19 =	sadd.s32 s25, s19  }
0x64: {  	v19 =	vtrunc.f32 v19;
	v21 =	vmov s26;
	v23 =	vld [tilespmem:s24+$0x190]  }
0x65: {  	v19 =	vcvt.f32.s32 v19;
	_ =	sdelay $0x1  }
0x66: {  	v20 =	vmul.u32 s23, v20;
	v24 =	vperm.xlane v17, v19;
	v19 =	vmul.u32 s28, v19  }
0x67: {  	s23 =	simm.s32 $0x1;
	vm1 =	veq.s32 v21, v6  }
0x68: {  	s23 =	simm.s32 @!p1 $0x0;
	v19 =	vadd.s32 v20, v19;
	v20 =	vsel vm1, v24, v23  }
0x69: {  	v19 =	vmul.u32 s23, v19;
	[tilespmem:s24+$0x190] =	vst v20;
	s23 =	simm.s32 $0x0  }
.Ltmp0:
0x6a: {  	s23 =	simm.s32 @!p1 $0x10;
	(pc) =	sbr.rel @p0 .LBB2_2-.Ltmp0, $4  }
0x6b: {  	v19 =	vadd.s32 s23, v19  }
0x6c: {  	v20 =	vcvt.s32.f32 v19;
	vm1 =	veq.s32 v19, v6  }
0x6d: {  	v19 =	vbroadcast v22, $0x1;
	v17 =	vsel vm1, s22, v17  }
0x6e: {  	s21 =	sadd.s32 $0x2, s21;
	vm1 =	veq.f32 v20, v5  }
0x6f: {  	v18 =	vmov s19  }
0x70: {  	vm1 =	vgt.s32 v18, v6  }
0x71: {  	v17 =	vnsel vm1, $0x0, v17  }
0x72: {  	v20 =	vld [tilespmem:$0x1A0];
	v17 =	vadd.s32 v0, v17  }
0x73: {  	s21 =	scvt.s32.f32 s19;
	v18 =	vld [tilespmem:$0x190];
	[tilespmem:$0x180] =	vst v17  }
0x74: {  	p0 =	slt.s32 s18, $0x40;
	v17 =	vld [tilespmem:$0x180]  }
0x75: {  	s18 =	simm.s32 @!p0 $0x40;
	v21 =	vmov s21  }
0x76: {  	v19 =	vmov s18;
	s18 =	scvt.s32.f32 s18;
	vm2 =	vgt.f32 v21, v5  }
0x77: {  	v21 =	vsel vm2, $0x3F800000, v7;
	vm2 =	vgt.s32 v19, v8  }
0x78: {  	v23 =	vld [tilespmem:$0x1B0];
	vm1 =	vgt.s32 v19, v6;
	v22 =	vmov s18;
	v20 =	vnsel vm2, $0x0, v20  }
0x79: {  	v18 =	vnsel vm1, $0x0, v18;
	vm1 =	vgt.f32 v22, v5;
	v24 =	vshll.u32 v17, $0x2  }
0x7a: {  	v61 =	vld [tilespmem:$0x1C0];
	[tilespmem:$0x200] =	vst v21;
	v18 =	vadd.s32 v0, v18;
	v17 =	vand.u32 $0x7, v17;
	v24 =	vand.u32 $0xFFFFFFE0, v24  }
0x7b: {  	vm2 =	vgt.s32 v19, v10;
	[tilespmem:$0x190] =	vst v18;
	v18 =	vsel vm1, $0x3F800000, v7;
	v17 =	vor.u32 v17, v24  }
0x7c: {  	v20 =	vadd.s32 v0, v20;
	vm1 =	vgt.f32 v22, v9;
	[tilespmem:$0x210] =	vst v18;
	v18 =	vperm.xlane v17, v14  }
0x7d: {  	v62 =	vnsel vm2, $0x0, v23;
	vm2 =	vgt.s32 v19, v12;
	[tilespmem:$0x1A0] =	vst v20;
	v19 =	vsel vm1, $0x3F800000, v7  }
0x7e: {  	vm1 =	vgt.f32 v22, v11;
	[tilespmem:$0x220] =	vst v19;
	v19 =	vadd.s32 v0, v62;
	v18 =	vadd.s32 v15, v18  }
0x7f: {  	v63 =	vnsel vm2, $0x0, v61;
	[tilespmem:$0x1B0] =	vst v19;
	v19 =	vsel vm1, $0x3F800000, v7  }
0x80: {  	vm1 =	vgt.f32 v22, v13;
	[tilespmem:$0x230] =	vst v19;
	v19 =	vadd.s32 v0, v63;
	v17 =	vperm.xlane v17, v16  }
0x81: {  	[tilespmem:$0x1C0] =	vst v19;
	v19 =	vsel vm1, $0x3F800000, v7  }
0x82: {  	s18 =	simm.s32 $0x0;
	[tilespmem:$0x240] =	vst v19;
	v17 =	vadd.s32 v15, v17  }
0x83: {  	[tilespmem:s13], [sflag:$0x1] =	stream.indirect_vreg.gather [hbm4b:s1+s18], $0x80, v18, vm0, $0xb8;
	[tilespmem:$0xA280] =	vst v63  }
0x84: {  	s22 =	simm.s32 $0xA80  }
0x85: {  	[tilespmem:s22], [sflag:$0x1] =	stream.indirect_vreg.gather [hbm4b:s5+s18], $0x80, v18, vm0, $0xb8;
	[tilespmem:$0xA280] =	vst v63  }
0x86: {  	s23 =	simm.s32 $0x1280  }
0x87: {  	[tilespmem:s23], [sflag:$0x1] =	stream.indirect_vreg.gather [hbm4b:s1+s18], $0x80, v17, vm0, $0xb8;
	[tilespmem:$0xA280] =	vst v63  }
0x88: {  	s24 =	simm.s32 $0x1A80  }
0x89: {  	[tilespmem:s24], [sflag:$0x1] =	stream.indirect_vreg.gather [hbm4b:s5+s18], $0x80, v17, vm0, $0xb8;
	[tilespmem:$0xA280] =	vst v63  }
0x8a: {  	v17 =	vld [tilespmem:$0x190];
	_ =	sdelay $0x4  }
0x8b: {  	v18 =	vshll.u32 v17, $0x2  }
0x8c: {  	v17 =	vand.u32 $0x7, v17;
	v18 =	vand.u32 $0xFFFFFFE0, v18  }
0x8d: {  	v17 =	vor.u32 v17, v18  }
0x8e: {  	v18 =	vperm.xlane v17, v14;
	_ =	sdelay $0x1  }
0x8f: {  	v18 =	vadd.s32 v15, v18;
	_ =	sdelay $0x1  }
0x90: {  	v17 =	vperm.xlane v17, v16;
	_ =	sdelay $0x1  }
0x91: {  	v17 =	vadd.s32 v15, v17  }
0x92: {  	[tilespmem:s17], [sflag:$0x2] =	stream.indirect_vreg.gather [hbm4b:s1+s18], $0x80, v18, vm0, $0xb8;
	[tilespmem:$0xA280] =	vst v63  }
0x93: {  	s25 =	simm.s32 $0x2A80  }
0x94: {  	[tilespmem:s25], [sflag:$0x2] =	stream.indirect_vreg.gather [hbm4b:s5+s18], $0x80, v18, vm0, $0xb8;
	[tilespmem:$0xA280] =	vst v63  }
0x95: {  	s26 =	simm.s32 $0x3280  }
0x96: {  	[tilespmem:s26], [sflag:$0x2] =	stream.indirect_vreg.gather [hbm4b:s1+s18], $0x80, v17, vm0, $0xb8;
	[tilespmem:$0xA280] =	vst v63  }
0x97: {  	s28 =	simm.s32 $0x3A80  }
0x98: {  	[tilespmem:s28], [sflag:$0x2] =	stream.indirect_vreg.gather [hbm4b:s5+s18], $0x80, v17, vm0, $0xb8;
	[tilespmem:$0xA280] =	vst v63  }
0x99: {  	v17 =	vld [tilespmem:$0x1A0];
	_ =	sdelay $0x4  }
0x9a: {  	v18 =	vshll.u32 v17, $0x2  }
0x9b: {  	v17 =	vand.u32 $0x7, v17;
	v18 =	vand.u32 $0xFFFFFFE0, v18  }
0x9c: {  	v17 =	vor.u32 v17, v18  }
0x9d: {  	v18 =	vperm.xlane v17, v14;
	_ =	sdelay $0x1  }
0x9e: {  	v18 =	vadd.s32 v15, v18;
	_ =	sdelay $0x1  }
0x9f: {  	v17 =	vperm.xlane v17, v16;
	_ =	sdelay $0x1  }
0xa0: {  	s29 =	simm.s32 $0x4280;
	v17 =	vadd.s32 v15, v17  }
0xa1: {  	[tilespmem:s29], [sflag:$0x2] =	stream.indirect_vreg.gather [hbm4b:s1+s18], $0x80, v18, vm0, $0xb8;
	[tilespmem:$0xA280] =	vst v63  }
0xa2: {  	s20 =	simm.s32 $0x4A80  }
0xa3: {  	[tilespmem:s20], [sflag:$0x2] =	stream.indirect_vreg.gather [hbm4b:s5+s18], $0x80, v18, vm0, $0xb8;
	[tilespmem:$0xA280] =	vst v63  }
0xa4: {  	s21 =	simm.s32 $0x5280  }
0xa5: {  	[tilespmem:s21], [sflag:$0x2] =	stream.indirect_vreg.gather [hbm4b:s1+s18], $0x80, v17, vm0, $0xb8;
	[tilespmem:$0xA280] =	vst v63  }
0xa6: {  	s22 =	simm.s32 $0x5A80  }
0xa7: {  	[tilespmem:s22], [sflag:$0x2] =	stream.indirect_vreg.gather [hbm4b:s5+s18], $0x80, v17, vm0, $0xb8;
	[tilespmem:$0xA280] =	vst v63  }
0xa8: {  	v17 =	vld [tilespmem:$0x1B0];
	_ =	sdelay $0x4  }
0xa9: {  	v18 =	vshll.u32 v17, $0x2  }
0xaa: {  	v17 =	vand.u32 $0x7, v17;
	v18 =	vand.u32 $0xFFFFFFE0, v18  }
0xab: {  	v17 =	vor.u32 v17, v18  }
0xac: {  	v18 =	vperm.xlane v17, v14;
	_ =	sdelay $0x1  }
0xad: {  	v18 =	vadd.s32 v15, v18;
	_ =	sdelay $0x1  }
0xae: {  	v17 =	vperm.xlane v17, v16;
	_ =	sdelay $0x1  }
0xaf: {  	s23 =	simm.s32 $0x6280;
	v17 =	vadd.s32 v15, v17  }
0xb0: {  	[tilespmem:s23], [sflag:$0x2] =	stream.indirect_vreg.gather [hbm4b:s1+s18], $0x80, v18, vm0, $0xb8;
	[tilespmem:$0xA280] =	vst v63  }
0xb1: {  	s24 =	simm.s32 $0x6A80  }
0xb2: {  	[tilespmem:s24], [sflag:$0x2] =	stream.indirect_vreg.gather [hbm4b:s5+s18], $0x80, v18, vm0, $0xb8;
	[tilespmem:$0xA280] =	vst v63  }
0xb3: {  	s25 =	simm.s32 $0x7280  }
0xb4: {  	[tilespmem:s25], [sflag:$0x2] =	stream.indirect_vreg.gather [hbm4b:s1+s18], $0x80, v17, vm0, $0xb8;
	[tilespmem:$0xA280] =	vst v63  }
0xb5: {  	s26 =	simm.s32 $0x7A80  }
0xb6: {  	[tilespmem:s26], [sflag:$0x2] =	stream.indirect_vreg.gather [hbm4b:s5+s18], $0x80, v17, vm0, $0xb8;
	[tilespmem:$0xA280] =	vst v63  }
0xb7: {  	v17 =	vld [tilespmem:$0x1C0];
	_ =	sdelay $0x4  }
0xb8: {  	v18 =	vshll.u32 v17, $0x2  }
0xb9: {  	v17 =	vand.u32 $0x7, v17;
	v18 =	vand.u32 $0xFFFFFFE0, v18  }
0xba: {  	v17 =	vor.u32 v17, v18  }
0xbb: {  	v18 =	vperm.xlane v17, v14;
	_ =	sdelay $0x1  }
0xbc: {  	v18 =	vadd.s32 v15, v18;
	_ =	sdelay $0x1  }
0xbd: {  	v17 =	vperm.xlane v17, v16;
	_ =	sdelay $0x1  }
0xbe: {  	v17 =	vadd.s32 v15, v17  }
0xbf: {  	[tilespmem:s30], [sflag:$0x2] =	stream.indirect_vreg.gather [hbm4b:s1+s18], $0x80, v18, vm0, $0xb8;
	[tilespmem:$0xA280] =	vst v63  }
0xc0: {  	_ = 	snop  }
0xc1: {  	[tilespmem:s31], [sflag:$0x2] =	stream.indirect_vreg.gather [hbm4b:s5+s18], $0x80, v18, vm0, $0xb8;
	[tilespmem:$0xA280] =	vst v63  }
0xc2: {  	_ = 	snop  }
0xc3: {  	[tilespmem:s2], [sflag:$0x2] =	stream.indirect_vreg.gather [hbm4b:s1+s18], $0x80, v17, vm0, $0xb8;
	[tilespmem:$0xA280] =	vst v63  }
0xc4: {  	_ = 	snop  }
0xc5: {  	[tilespmem:s0], [sflag:$0x2] =	stream.indirect_vreg.gather [hbm4b:s5+s18], $0x80, v17, vm0, $0xb8;
	[tilespmem:$0xA280] =	vst v63  }
0xc6: {  	s28 =	simm.s32 $0x200  }
0xc7: {  	[hbm4b:s6+s18] =	stream.linear.scatter [tilespmem:s28], [sflag:$0x3], $0x10, $0x38;
	[tilespmem:$0xA280] =	vst v63  }
0xc8: {  	_ =	swait.ge [sflag:s11], $0x10  }
0xc9: {  	[sflag:s11] =	ssyncset.done $0x0  }
0xca: {  	[sflag:s11] =	ssyncadd.s32 $0xFFFFFFF0  }
0xcb: {  	[hbm4b:s7+s18] =	stream.linear.scatter [tilespmem:s14], [sflag:$0x3], $0x40, $0x38;
	[tilespmem:$0xA280] =	vst v63  }
0xcc: {  	_ =	swait.ge [sflag:s11], $0x40  }
0xcd: {  	[sflag:s11] =	ssyncset.done $0x0  }
0xce: {  	[sflag:s11] =	ssyncadd.s32 $0xFFFFFFC0  }
0xcf: {  	_ =	swait.ge [sflag:s12], $0x2000  }
0xd0: {  	[sflag:s12] =	ssyncset.done $0x0  }
0xd1: {  	[sflag:s12] =	ssyncadd.s32 $0xFFFFE000  }
0xd2: {  	v17 =	vld [tilespmem:s28+$0x0];
	_ =	sdelay $0x4  }
0xd3: {  	(v2sf) =	vpush v17, $0x0;
	_ =	sdelay $0xe  }
0xd4: {  	s29 =	spop (v2sf)  }
0xd5: {  	p0 =	sne.f32 s29, $0.0e+00;
	_ =	sdelay $0x1  }
0xd6: {  	s19 =	sand.u32 @!p0 $0x1000, s18;
	s20 =	sand.u32 @!p0 $0x380, s18  }
0xd7: {  	v17 =	vimm.f32 @!p0 $0.0e+00;
	s20 =	sor.u32 @!p0 s20, s19  }
0xd8: {  	[tilespmem:s20+$0x280] =	vst @!p0 v17  }
0xd9: {  	[tilespmem:s20+$0x290] =	vst @!p0 v17  }
0xda: {  	[tilespmem:s20+$0x2A0] =	vst @!p0 v17  }
0xdb: {  	[tilespmem:s20+$0x2B0] =	vst @!p0 v17  }
0xdc: {  	[tilespmem:s20+$0x2C0] =	vst @!p0 v17  }
0xdd: {  	[tilespmem:s20+$0x2D0] =	vst @!p0 v17  }
0xde: {  	[tilespmem:s20+$0x2E0] =	vst @!p0 v17  }
0xdf: {  	[tilespmem:s20+$0x2F0] =	vst @!p0 v17  }
0xe0: {  	[tilespmem:s20+$0x680] =	vst @!p0 v17  }
0xe1: {  	[tilespmem:s20+$0x690] =	vst @!p0 v17  }
0xe2: {  	[tilespmem:s20+$0x6A0] =	vst @!p0 v17  }
0xe3: {  	[tilespmem:s20+$0x6B0] =	vst @!p0 v17  }
0xe4: {  	[tilespmem:s20+$0x6C0] =	vst @!p0 v17  }
0xe5: {  	[tilespmem:s20+$0x6D0] =	vst @!p0 v17  }
0xe6: {  	[tilespmem:s20+$0x6E0] =	vst @!p0 v17  }
0xe7: {  	[tilespmem:s20+$0x6F0] =	vst @!p0 v17  }
0xe8: {  	[tilespmem:s20+$0xA80] =	vst @!p0 v17  }
0xe9: {  	[tilespmem:s20+$0xA90] =	vst @!p0 v17  }
0xea: {  	[tilespmem:s20+$0xAA0] =	vst @!p0 v17  }
0xeb: {  	[tilespmem:s20+$0xAB0] =	vst @!p0 v17  }
0xec: {  	[tilespmem:s20+$0xAC0] =	vst @!p0 v17  }
0xed: {  	[tilespmem:s20+$0xAD0] =	vst @!p0 v17  }
0xee: {  	[tilespmem:s20+$0xAE0] =	vst @!p0 v17  }
0xef: {  	[tilespmem:s20+$0xAF0] =	vst @!p0 v17  }
0xf0: {  	[tilespmem:s20+$0xE80] =	vst @!p0 v17  }
0xf1: {  	[tilespmem:s20+$0xE90] =	vst @!p0 v17  }
0xf2: {  	[tilespmem:s20+$0xEA0] =	vst @!p0 v17  }
0xf3: {  	[tilespmem:s20+$0xEB0] =	vst @!p0 v17  }
0xf4: {  	[tilespmem:s20+$0xEC0] =	vst @!p0 v17  }
0xf5: {  	[tilespmem:s20+$0xED0] =	vst @!p0 v17  }
0xf6: {  	[tilespmem:s20+$0xEE0] =	vst @!p0 v17  }
0xf7: {  	s19 =	simm.s32 $0x200;
	[tilespmem:s20+$0xEF0] =	vst @!p0 v17;
	s20 =	simm.s32 $0x201  }
.LBB2_4:
0xf8: {  	v17 =	vld [tilespmem:s20+$0x0];
	s21 =	smov.u32 s19;
	s19 =	sadd.s32 $0x200, s19  }
0xf9: {  	p0 =	sne.s32 s19, $0x2000;
	_ =	sdelay $0x3  }
0xfa: {  	(v2sf) =	vpush v17, $0x0;
	_ =	sdelay $0xe  }
0xfb: {  	s22 =	spop (v2sf)  }
0xfc: {  	p1 =	sne.f32 s22, $0.0e+00  }
0xfd: {  	s18 =	sadd.s32 $0x80, s18  }
0xfe: {  	s21 =	sand.u32 @!p1 $0x1000, s21;
	s22 =	sand.u32 @!p1 $0x380, s18  }
0xff: {  	v17 =	vimm.f32 @!p1 $0.0e+00;
	s21 =	sor.u32 @!p1 s22, s21  }
0x100: {  	[tilespmem:s21+$0x280] =	vst @!p1 v17  }
0x101: {  	[tilespmem:s21+$0x290] =	vst @!p1 v17  }
0x102: {  	[tilespmem:s21+$0x2A0] =	vst @!p1 v17  }
0x103: {  	[tilespmem:s21+$0x2B0] =	vst @!p1 v17  }
0x104: {  	[tilespmem:s21+$0x2C0] =	vst @!p1 v17  }
0x105: {  	[tilespmem:s21+$0x2D0] =	vst @!p1 v17  }
0x106: {  	[tilespmem:s21+$0x2E0] =	vst @!p1 v17  }
0x107: {  	[tilespmem:s21+$0x2F0] =	vst @!p1 v17  }
0x108: {  	[tilespmem:s21+$0x680] =	vst @!p1 v17  }
0x109: {  	[tilespmem:s21+$0x690] =	vst @!p1 v17  }
0x10a: {  	[tilespmem:s21+$0x6A0] =	vst @!p1 v17  }
0x10b: {  	[tilespmem:s21+$0x6B0] =	vst @!p1 v17  }
0x10c: {  	[tilespmem:s21+$0x6C0] =	vst @!p1 v17  }
0x10d: {  	[tilespmem:s21+$0x6D0] =	vst @!p1 v17  }
0x10e: {  	[tilespmem:s21+$0x6E0] =	vst @!p1 v17  }
0x10f: {  	[tilespmem:s21+$0x6F0] =	vst @!p1 v17  }
0x110: {  	[tilespmem:s21+$0xA80] =	vst @!p1 v17  }
0x111: {  	[tilespmem:s21+$0xA90] =	vst @!p1 v17  }
0x112: {  	[tilespmem:s21+$0xAA0] =	vst @!p1 v17  }
0x113: {  	[tilespmem:s21+$0xAB0] =	vst @!p1 v17  }
0x114: {  	[tilespmem:s21+$0xAC0] =	vst @!p1 v17  }
0x115: {  	[tilespmem:s21+$0xAD0] =	vst @!p1 v17  }
0x116: {  	[tilespmem:s21+$0xAE0] =	vst @!p1 v17  }
0x117: {  	[tilespmem:s21+$0xAF0] =	vst @!p1 v17  }
0x118: {  	[tilespmem:s21+$0xE80] =	vst @!p1 v17  }
0x119: {  	[tilespmem:s21+$0xE90] =	vst @!p1 v17  }
0x11a: {  	[tilespmem:s21+$0xEA0] =	vst @!p1 v17  }
.Ltmp1:
0x11b: {  	[tilespmem:s21+$0xEB0] =	vst @!p1 v17;
	(pc) =	sbr.rel @p0 .LBB2_4-.Ltmp1, $4  }
0x11c: {  	[tilespmem:s21+$0xEC0] =	vst @!p1 v17  }
0x11d: {  	[tilespmem:s21+$0xED0] =	vst @!p1 v17  }
0x11e: {  	[tilespmem:s21+$0xEE0] =	vst @!p1 v17  }
0x11f: {  	s20 =	sadd.s32 $0x1, s20;
	[tilespmem:s21+$0xEF0] =	vst @!p1 v17  }
0x120: {  	[hbm4b:s8+s3] =	stream.linear.scatter [tilespmem:s13], [sflag:$0x3], $0x2000, $0x38;
	[tilespmem:$0xA280] =	vst v63  }
0x121: {  	_ =	swait.ge [sflag:s11], $0x2000  }
0x122: {  	[sflag:s11] =	ssyncset.done $0x0  }
0x123: {  	[sflag:s11] =	ssyncadd.s32 $0xFFFFE000  }
0x124: {  	_ =	swait.ge [sflag:s15], $0x8000  }
0x125: {  	[sflag:s15] =	ssyncset.done $0x0  }
0x126: {  	s18 =	simm.s32 $0x210;
	[sflag:s15] =	ssyncadd.s32 $0xFFFF8000  }
0x127: {  	v17 =	vld [tilespmem:s18+$0x0];
	_ =	sdelay $0x4  }
0x128: {  	(v2sf) =	vpush v17, $0x0;
	_ =	sdelay $0xe  }
0x129: {  	s29 =	spop (v2sf)  }
0x12a: {  	p0 =	sne.f32 s29, $0.0e+00  }
0x12b: {  	s19 =	simm.s32 $0x2000;
	s18 =	simm.s32 $0x800  }
0x12c: {  	s19 =	sand.u32 @!p0 $0xF000, s19;
	s20 =	sand.u32 @!p0 $0x380, s18  }
0x12d: {  	v17 =	vimm.f32 @!p0 $0.0e+00;
	s20 =	sor.u32 @!p0 s20, s19  }
0x12e: {  	[tilespmem:s20+$0x280] =	vst @!p0 v17  }
0x12f: {  	[tilespmem:s20+$0x290] =	vst @!p0 v17  }
0x130: {  	[tilespmem:s20+$0x2A0] =	vst @!p0 v17  }
0x131: {  	[tilespmem:s20+$0x2B0] =	vst @!p0 v17  }
0x132: {  	[tilespmem:s20+$0x2C0] =	vst @!p0 v17  }
0x133: {  	[tilespmem:s20+$0x2D0] =	vst @!p0 v17  }
0x134: {  	[tilespmem:s20+$0x2E0] =	vst @!p0 v17  }
0x135: {  	[tilespmem:s20+$0x2F0] =	vst @!p0 v17  }
0x136: {  	[tilespmem:s20+$0x680] =	vst @!p0 v17  }
0x137: {  	[tilespmem:s20+$0x690] =	vst @!p0 v17  }
0x138: {  	[tilespmem:s20+$0x6A0] =	vst @!p0 v17  }
0x139: {  	[tilespmem:s20+$0x6B0] =	vst @!p0 v17  }
0x13a: {  	[tilespmem:s20+$0x6C0] =	vst @!p0 v17  }
0x13b: {  	[tilespmem:s20+$0x6D0] =	vst @!p0 v17  }
0x13c: {  	[tilespmem:s20+$0x6E0] =	vst @!p0 v17  }
0x13d: {  	[tilespmem:s20+$0x6F0] =	vst @!p0 v17  }
0x13e: {  	[tilespmem:s20+$0xA80] =	vst @!p0 v17  }
0x13f: {  	[tilespmem:s20+$0xA90] =	vst @!p0 v17  }
0x140: {  	[tilespmem:s20+$0xAA0] =	vst @!p0 v17  }
0x141: {  	[tilespmem:s20+$0xAB0] =	vst @!p0 v17  }
0x142: {  	[tilespmem:s20+$0xAC0] =	vst @!p0 v17  }
0x143: {  	[tilespmem:s20+$0xAD0] =	vst @!p0 v17  }
0x144: {  	[tilespmem:s20+$0xAE0] =	vst @!p0 v17  }
0x145: {  	[tilespmem:s20+$0xAF0] =	vst @!p0 v17  }
0x146: {  	[tilespmem:s20+$0xE80] =	vst @!p0 v17  }
0x147: {  	[tilespmem:s20+$0xE90] =	vst @!p0 v17  }
0x148: {  	[tilespmem:s20+$0xEA0] =	vst @!p0 v17  }
0x149: {  	[tilespmem:s20+$0xEB0] =	vst @!p0 v17  }
0x14a: {  	[tilespmem:s20+$0xEC0] =	vst @!p0 v17  }
0x14b: {  	[tilespmem:s20+$0xED0] =	vst @!p0 v17  }
0x14c: {  	[tilespmem:s20+$0xEE0] =	vst @!p0 v17  }
0x14d: {  	s19 =	simm.s32 $0x2200;
	[tilespmem:s20+$0xEF0] =	vst @!p0 v17;
	s20 =	simm.s32 $0x211  }
.LBB2_6:
0x14e: {  	v17 =	vld [tilespmem:s20+$0x0];
	s21 =	smov.u32 s19;
	s19 =	sadd.s32 $0x200, s19  }
0x14f: {  	p0 =	sne.s32 s19, $0xA000;
	_ =	sdelay $0x3  }
0x150: {  	(v2sf) =	vpush v17, $0x0;
	_ =	sdelay $0xe  }
0x151: {  	s22 =	spop (v2sf)  }
0x152: {  	p1 =	sne.f32 s22, $0.0e+00  }
0x153: {  	s18 =	sadd.s32 $0x80, s18  }
0x154: {  	s21 =	sand.u32 @!p1 $0xF000, s21;
	s22 =	sand.u32 @!p1 $0x380, s18  }
0x155: {  	v17 =	vimm.f32 @!p1 $0.0e+00;
	s21 =	sor.u32 @!p1 s22, s21  }
0x156: {  	[tilespmem:s21+$0x280] =	vst @!p1 v17  }
0x157: {  	[tilespmem:s21+$0x290] =	vst @!p1 v17  }
0x158: {  	[tilespmem:s21+$0x2A0] =	vst @!p1 v17  }
0x159: {  	[tilespmem:s21+$0x2B0] =	vst @!p1 v17  }
0x15a: {  	[tilespmem:s21+$0x2C0] =	vst @!p1 v17  }
0x15b: {  	[tilespmem:s21+$0x2D0] =	vst @!p1 v17  }
0x15c: {  	[tilespmem:s21+$0x2E0] =	vst @!p1 v17  }
0x15d: {  	[tilespmem:s21+$0x2F0] =	vst @!p1 v17  }
0x15e: {  	[tilespmem:s21+$0x680] =	vst @!p1 v17  }
0x15f: {  	[tilespmem:s21+$0x690] =	vst @!p1 v17  }
0x160: {  	[tilespmem:s21+$0x6A0] =	vst @!p1 v17  }
0x161: {  	[tilespmem:s21+$0x6B0] =	vst @!p1 v17  }
0x162: {  	[tilespmem:s21+$0x6C0] =	vst @!p1 v17  }
0x163: {  	[tilespmem:s21+$0x6D0] =	vst @!p1 v17  }
0x164: {  	[tilespmem:s21+$0x6E0] =	vst @!p1 v17  }
0x165: {  	[tilespmem:s21+$0x6F0] =	vst @!p1 v17  }
0x166: {  	[tilespmem:s21+$0xA80] =	vst @!p1 v17  }
0x167: {  	[tilespmem:s21+$0xA90] =	vst @!p1 v17  }
0x168: {  	[tilespmem:s21+$0xAA0] =	vst @!p1 v17  }
0x169: {  	[tilespmem:s21+$0xAB0] =	vst @!p1 v17  }
0x16a: {  	[tilespmem:s21+$0xAC0] =	vst @!p1 v17  }
0x16b: {  	[tilespmem:s21+$0xAD0] =	vst @!p1 v17  }
0x16c: {  	[tilespmem:s21+$0xAE0] =	vst @!p1 v17  }
0x16d: {  	[tilespmem:s21+$0xAF0] =	vst @!p1 v17  }
0x16e: {  	[tilespmem:s21+$0xE80] =	vst @!p1 v17  }
0x16f: {  	[tilespmem:s21+$0xE90] =	vst @!p1 v17  }
0x170: {  	[tilespmem:s21+$0xEA0] =	vst @!p1 v17  }
.Ltmp2:
0x171: {  	[tilespmem:s21+$0xEB0] =	vst @!p1 v17;
	(pc) =	sbr.rel @p0 .LBB2_6-.Ltmp2, $4  }
0x172: {  	[tilespmem:s21+$0xEC0] =	vst @!p1 v17  }
0x173: {  	[tilespmem:s21+$0xED0] =	vst @!p1 v17  }
0x174: {  	[tilespmem:s21+$0xEE0] =	vst @!p1 v17  }
0x175: {  	s20 =	sadd.s32 $0x1, s20;
	[tilespmem:s21+$0xEF0] =	vst @!p1 v17  }
0x176: {  	s16 =	sadd.s32 $0x1, s16  }
0x177: {  	p0 =	sne.s32 s16, s10  }
.Ltmp3:
0x178: {  	_ = 	snop;
	(pc) =	sbr.rel @p0 .LBB2_1-.Ltmp3, $4  }
0x179: {  	[hbm4b:s9+s3] =	stream.linear.scatter [tilespmem:s17], [sflag:$0x3], $0x8000, $0x38;
	[tilespmem:$0xA280] =	vst v63  }
0x17a: {  	_ =	swait.ge [sflag:s11], $0x8000  }
0x17b: {  	[sflag:s11] =	ssyncset.done $0x0  }
0x17c: {  	[sflag:s11] =	ssyncadd.s32 $0xFFFF8000  }
0x17d: {  	_ =	sfence.sel $0x180000  }
0x17e: {  	[bflag:$0x0] =	sbarrier.arrive $0xFFFF  }
0x17f: {  	_ =	strace $0x90000047  }
0x180: {  	s0 =	stileid.u32;
	[bflag:$0x2] =	sbarrier.arrive $0xFFFF  }
0x181: {  	p0 =	sne.s32 s0, $0x0;
	s0 =	rddreg [dreg:$0x5]  }
0x182: {  	s0 =	sadd.s32 @!p0 $0x100000, s0  }
0x183: {  	[sflag:s0] =	ssyncadd.tile.s32 @!p0 $0x1;
	_ =	shalt  }
.Lfunc_end2:
_tile_overlayer_lowered:
.L_overlay_start_2:
0x184: {  	(tag) =	ssettag $0x2  }
0x185: {  	s0 =	rddreg [dreg:$0x0];
	s2 =	stileid.u32  }
0x186: {  	s1 =	rddreg [dreg:$0x1];
	p0 =	sne.s32 s2, $0x0  }
0x187: {  	s3 =	rddreg [dreg:$0x2];
	[bflag:$0x3] =	sbarrier.arrive $0xFFFF;
	s2 =	simm.s32 @!p0 $0x1C03  }
0x188: {  	[timem:s3], [sflag:s2] =	dma.local @!p0 [hbm:s0], s1  }
0x189: {  	s0 =	simm.s32 @!p0 $0x3  }
0x18a: {  	_ =	swait.ge @!p0 [sflag:s0], s1  }
0x18b: {  	s1 =	ssub.s32 @!p0 $0x0, s1;
	[sflag:s0] =	ssyncset.done @!p0 $0x0  }
0x18c: {  	[sflag:s0] =	ssyncadd.s32 @!p0 s1  }
0x18d: {  	[bflag:$0x3] =	sbarrier.arrive $0xFFFF  }
0x18e: {  	_ =	shalt  }

</sc_bundles>
